<compile_context>
chip_gen: v7x
topology: tpu7x:2x2x1
jax: 0.10.2.dev20260603
libtpu: 0.0.44.dev20260713+nightly
codegen_flags: <defaults>
</compile_context>

<pallas_src>
import functools

import jax
import jax.numpy as jnp
from jax import lax
from jax.experimental import pallas as pl
from jax.experimental.pallas import tpu as pltpu
from jax.experimental.pallas import tpu_sc as plsc

N_NODES = 10000
N_PAD = 10240
CH = 256
HALF = 128
NC = 2
NS = 16
L = 16
CHUNK = 128
CPT = 80
NSEG = 5
CPS = CPT // NSEG
NBUF = 2
EDGES_PER_TILE = CHUNK * CPT
E_PAD = NS * EDGES_PER_TILE
EPW = E_PAD // (NC * NS)
ROWS_PER_TILE = N_PAD // NS
ROW_BLOCK = 512
GRID = N_PAD // ROW_BLOCK

_sc_mesh = plsc.VectorSubcoreMesh(
    core_axis_name="c", subcore_axis_name="s", num_cores=NC, num_subcores=NS)


@functools.partial(
    pl.kernel,
    out_type=jax.ShapeDtypeStruct((NC * NS, N_PAD), jnp.float32),
    mesh=_sc_mesh,
    scratch_types=[
        pltpu.VMEM((EPW,), jnp.int32),
        pltpu.VMEM((N_PAD,), jnp.float32),
    ],
    compiler_params=pltpu.CompilerParams(needs_layout_passes=False),
)
def _deg_kernel(dst_hbm, out_hbm, idx_v, deg_v):
    cid = lax.axis_index("c")
    sid = lax.axis_index("s")
    wid = cid * NS + sid
    zeros = jnp.zeros((L,), jnp.float32)

    def zero_body(i, _):
        for u in range(8):
            deg_v[pl.ds(i * 8 * L + u * L, L)] = zeros
        return 0

    lax.fori_loop(0, N_PAD // (8 * L), zero_body, 0)
    pltpu.sync_copy(dst_hbm.at[pl.ds(wid * EPW, EPW)], idx_v)
    ones = jnp.ones((L,), jnp.float32)

    def body(i, _):
        for u in range(4):
            idx = idx_v[pl.ds(i * 4 * L + u * L, L)]
            plsc.addupdate_scatter(deg_v, [idx], ones)
        return 0

    lax.fori_loop(0, EPW // (4 * L), body, 0)
    pltpu.sync_copy(deg_v, out_hbm.at[wid])


def _mm_body(x_ref, w_ref, degp_ref, h2a_ref, h2b_ref, dinv_ref):
    h = jnp.dot(x_ref[...].astype(jnp.bfloat16),
                w_ref[...].astype(jnp.bfloat16),
                preferred_element_type=jnp.float32)
    deg = jnp.sum(degp_ref[...], axis=1, keepdims=True) + 1.0
    dinv = lax.rsqrt(deg)
    h2 = h * dinv
    h2a_ref[...] = h2[:, :HALF]
    h2b_ref[...] = h2[:, HALF:]
    dinv_ref[...] = dinv


def _mm_call(x_pad, W, degp_t):
    return pl.pallas_call(
        _mm_body,
        grid=(GRID,),
        in_specs=[
            pl.BlockSpec((ROW_BLOCK, CH), lambda i: (i, 0)),
            pl.BlockSpec((CH, CH), lambda i: (0, 0)),
            pl.BlockSpec((ROW_BLOCK, NC * NS), lambda i: (i, 0)),
        ],
        out_specs=[
            pl.BlockSpec((ROW_BLOCK, HALF), lambda i: (i, 0)),
            pl.BlockSpec((ROW_BLOCK, HALF), lambda i: (i, 0)),
            pl.BlockSpec((ROW_BLOCK, 1), lambda i: (i, 0)),
        ],
        out_shape=[
            jax.ShapeDtypeStruct((N_PAD, HALF), jnp.float32),
            jax.ShapeDtypeStruct((N_PAD, HALF), jnp.float32),
            jax.ShapeDtypeStruct((N_PAD, 1), jnp.float32),
        ],
    )(x_pad, W, degp_t)


@functools.partial(
    pl.kernel,
    out_type=[
        jax.ShapeDtypeStruct((N_PAD, HALF), jnp.float32),
        jax.ShapeDtypeStruct((N_PAD, HALF), jnp.float32),
    ],
    mesh=_sc_mesh,
    scratch_types=[
        pltpu.VMEM((CPS, CHUNK), jnp.int32),
        pltpu.VMEM((CPS, CHUNK), jnp.int32),
        [pltpu.VMEM((CHUNK, HALF), jnp.float32) for _ in range(NBUF)],
        pltpu.VMEM_SHARED((N_PAD, HALF), jnp.float32),
        [pltpu.SemaphoreType.DMA for _ in range(NBUF)],
    ],
)
def _agg_kernel(h2a_hbm, h2b_hbm, src_hbm, dst_hbm, outa_hbm, outb_hbm,
                src_v, dst_v, bufs, acc_sh, gsems):
    cid = lax.axis_index("c")
    sid = lax.axis_index("s")
    row0 = sid * ROWS_PER_TILE
    base = sid * CPT

    def run_half(table_hbm, out_hbm):
        pltpu.sync_copy(table_hbm.at[pl.ds(row0, ROWS_PER_TILE)],
                        acc_sh.at[pl.ds(row0, ROWS_PER_TILE)])
        plsc.subcore_barrier()

        def seg_body(seg, _):
            segbase = base + seg * CPS
            pltpu.sync_copy(src_hbm.at[pl.ds(segbase, CPS)], src_v)
            pltpu.sync_copy(dst_hbm.at[pl.ds(segbase, CPS)], dst_v)

            pltpu.async_copy(table_hbm.at[src_v.at[0]], bufs[0], gsems[0])

            def pair_body(p, _):
                j0 = 2 * p
                pltpu.async_copy(table_hbm.at[src_v.at[j0 + 1]], bufs[1],
                                 gsems[1])
                pltpu.make_async_copy(
                    table_hbm.at[src_v.at[j0]], bufs[0], gsems[0]).wait()
                pltpu.sync_copy(bufs[0], acc_sh.at[dst_v.at[j0]], add=True)

                @pl.when(p < CPS // 2 - 1)
                def _():
                    pltpu.async_copy(table_hbm.at[src_v.at[j0 + 2]], bufs[0],
                                     gsems[0])

                pltpu.make_async_copy(
                    table_hbm.at[src_v.at[j0 + 1]], bufs[1], gsems[1]).wait()
                pltpu.sync_copy(bufs[1], acc_sh.at[dst_v.at[j0 + 1]], add=True)
                return 0

            lax.fori_loop(0, CPS // 2, pair_body, 0)
            return 0

        lax.fori_loop(0, NSEG, seg_body, 0)
        plsc.subcore_barrier()
        pltpu.sync_copy(acc_sh.at[pl.ds(row0, ROWS_PER_TILE)],
                        out_hbm.at[pl.ds(row0, ROWS_PER_TILE)])

    @pl.when(cid == 0)
    def _():
        run_half(h2a_hbm, outa_hbm)

    @pl.when(cid == 1)
    def _():
        run_half(h2b_hbm, outb_hbm)


def _final_body(acca_ref, accb_ref, dinv_ref, b_ref, out_ref):
    dinv = dinv_ref[...]
    br = b_ref[...]
    out_ref[:, :HALF] = dinv * acca_ref[...] + br[0:1, :HALF]
    out_ref[:, HALF:] = dinv * accb_ref[...] + br[0:1, HALF:]


def _final_call(acca, accb, dinv, b2d):
    return pl.pallas_call(
        _final_body,
        grid=(GRID,),
        in_specs=[
            pl.BlockSpec((ROW_BLOCK, HALF), lambda i: (i, 0)),
            pl.BlockSpec((ROW_BLOCK, HALF), lambda i: (i, 0)),
            pl.BlockSpec((ROW_BLOCK, 1), lambda i: (i, 0)),
            pl.BlockSpec((1, CH), lambda i: (0, 0)),
        ],
        out_specs=pl.BlockSpec((ROW_BLOCK, CH), lambda i: (i, 0)),
        out_shape=jax.ShapeDtypeStruct((N_PAD, CH), jnp.float32),
    )(acca, accb, dinv, b2d)


def kernel(x, edge_index, W, b):
    n, _ = x.shape
    e = edge_index.shape[1]
    src = edge_index[0].astype(jnp.int32)
    dst = edge_index[1].astype(jnp.int32)
    pad = E_PAD - e
    src_p = jnp.concatenate([src, jnp.full((pad,), n, jnp.int32)])
    dst_p = jnp.concatenate([dst, jnp.full((pad,), n, jnp.int32)])
    src2d = src_p.reshape(NS * CPT, CHUNK)
    dst2d = dst_p.reshape(NS * CPT, CHUNK)
    x_pad = jnp.pad(x, ((0, N_PAD - n), (0, 0)))

    degp = _deg_kernel(dst_p)
    degp_t = degp.T
    h2a, h2b, dinv = _mm_call(x_pad, W, degp_t)
    acca, accb = _agg_kernel(h2a, h2b, src2d, dst2d)
    out = _final_call(acca, accb, dinv, b.reshape(1, CH))
    return out[:n]

# --- scband reference (transcript-rebuilt; emitter-appended) ---
"""Pipeline reference for scband-cdauto-encoder-30382598651962 (READ-ONLY COPY).

The authoritative reference and input builder live on the scoring server;
editing this copy changes nothing except your own understanding.
"""

import jax, jax.numpy as jnp
import numpy as np

N_NODES = 10000
N_EDGES = 160000
IN_CH = 256
OUT_CH = 256


def setup_inputs(seed: int = 0) -> dict:
    key = jax.random.key(seed)
    k1, k2, k3, k4 = jax.random.split(key, 4)
    x = jax.random.normal(k1, (N_NODES, IN_CH), dtype=jnp.float32)
    edge_index = jax.random.randint(k2, (2, N_EDGES), 0, N_NODES, dtype=jnp.int64)
    # GCNConv learned parameters (glorot init for weight, zeros bias)
    limit = np.sqrt(6.0 / (IN_CH + OUT_CH))
    W = jax.random.uniform(k3, (IN_CH, OUT_CH), minval=-limit, maxval=limit, dtype=jnp.float32)
    b = jnp.zeros((OUT_CH,), dtype=jnp.float32)
    return {"x": x, "edge_index": edge_index, "W": W, "b": b}


def reference(x, edge_index, W, b):
    # CDAutoEncoder.forward in eval mode: y = GCNConv(x, edge_index); return y (detached)
    # GCNConv with add_self_loops=True and symmetric normalization:
    # out = D^{-1/2} (A + I) D^{-1/2} X W + b
    N = x.shape[0]
    loop = jnp.arange(N, dtype=edge_index.dtype)
    src = jnp.concatenate([edge_index[0], loop])
    dst = jnp.concatenate([edge_index[1], loop])
    # degree computed on target (col) with unit edge weights
    deg = jnp.zeros((N,), dtype=x.dtype).at[dst].add(1.0)
    deg_inv_sqrt = jnp.where(deg > 0, 1.0 / jnp.sqrt(deg), 0.0)
    norm = deg_inv_sqrt[src] * deg_inv_sqrt[dst]
    h = x @ W
    msg = h[src] * norm[:, None]
    out = jnp.zeros((N, W.shape[1]), dtype=x.dtype).at[dst].add(msg)
    return out + b

if __name__ == "__main__":
    import jax
    _d = setup_inputs()
    print(jax.jit(kernel)(*tuple(_d.values())))

</pallas_src>

<mosaic_0001>
#map = affine_map<(d0, d1) -> (0)>
#map1 = affine_map<(d0, d1) -> (0, 0)>
module attributes {stable_mosaic.version = 14 : i64} {
  func.func @_deg_kernel(%arg0: i32, %arg1: i32, %arg2: memref<163840xi32, #tpu.memory_space<hbm>>, %arg3: memref<32x10240xf32, #tpu.memory_space<hbm>>, %arg4: memref<5120xi32, #tpu.memory_space<vmem>>, %arg5: memref<10240xf32, #tpu.memory_space<vmem>>) attributes {dimension_semantics = [#tpu.dimension_semantics<core_parallel>, #tpu.dimension_semantics<subcore_parallel>], iteration_bounds = array<i64: 2, 16>, scalar_prefetch = 0 : i64, scratch_operands = 2 : i64, tpu.core_type = #tpu.core_type<sc_vector_subcore>, window_params = [{transform_indices = #map}, {transform_indices = #map1}]} {
    %mul3A = arith.constant 16 : i32
    %mul3A_0 = arith.muli %arg0, %mul3A : i32
    %add3A = arith.addi %mul3A_0, %arg1 : i32
    %broadcast_in_dim3A = arith.constant 0.000000e+00 : f32
    %broadcast_in_dim3A_1 = vector.broadcast %broadcast_in_dim3A : f32 to vector<16xf32>
    %scan3A = arith.constant 0 : i32
    %scan3A_2 = arith.constant 0 : i32
    %scan3A_3 = arith.constant 80 : i32
    %scan3A_4 = arith.addi %scan3A_2, %scan3A_3 : i32
    %scan3A_5 = arith.constant 1 : i32
    %scan3A_6 = scf.for %scan3A_19 = %scan3A_2 to %scan3A_4 step %scan3A_5 iter_args(%scan3A_20 = %scan3A) -> (i32)  : i32 {
      %mul3A_21 = arith.constant 8 : i32
      %mul3A_22 = arith.muli %scan3A_19, %mul3A_21 : i32
      %mul3A_23 = arith.constant 16 : i32
      %mul3A_24 = arith.muli %mul3A_22, %mul3A_23 : i32
      %add3A_25 = arith.constant 0 : i32
      %add3A_26 = arith.addi %mul3A_24, %add3A_25 : i32
      %swap3A = arith.index_cast %add3A_26 : i32 to index
      %swap3A_27 = tpu.vector_load %arg5[%swap3A] {strides = array<i32>} : memref<10240xf32, #tpu.memory_space<vmem>>, vector<16xf32>,
      tpu.vector_store %arg5[%swap3A], %broadcast_in_dim3A_1 {strides = array<i32>} : memref<10240xf32, #tpu.memory_space<vmem>>, vector<16xf32>,
      %mul3A_28 = arith.constant 8 : i32
      %mul3A_29 = arith.muli %scan3A_19, %mul3A_28 : i32
      %mul3A_30 = arith.constant 16 : i32
      %mul3A_31 = arith.muli %mul3A_29, %mul3A_30 : i32
      %add3A_32 = arith.constant 16 : i32
      %add3A_33 = arith.addi %mul3A_31, %add3A_32 : i32
      %swap3A_34 = arith.index_cast %add3A_33 : i32 to index
      %swap3A_35 = tpu.vector_load %arg5[%swap3A_34] {strides = array<i32>} : memref<10240xf32, #tpu.memory_space<vmem>>, vector<16xf32>,
      tpu.vector_store %arg5[%swap3A_34], %broadcast_in_dim3A_1 {strides = array<i32>} : memref<10240xf32, #tpu.memory_space<vmem>>, vector<16xf32>,
      %mul3A_36 = arith.constant 8 : i32
      %mul3A_37 = arith.muli %scan3A_19, %mul3A_36 : i32
      %mul3A_38 = arith.constant 16 : i32
      %mul3A_39 = arith.muli %mul3A_37, %mul3A_38 : i32
      %add3A_40 = arith.constant 32 : i32
      %add3A_41 = arith.addi %mul3A_39, %add3A_40 : i32
      %swap3A_42 = arith.index_cast %add3A_41 : i32 to index
      %swap3A_43 = tpu.vector_load %arg5[%swap3A_42] {strides = array<i32>} : memref<10240xf32, #tpu.memory_space<vmem>>, vector<16xf32>,
      tpu.vector_store %arg5[%swap3A_42], %broadcast_in_dim3A_1 {strides = array<i32>} : memref<10240xf32, #tpu.memory_space<vmem>>, vector<16xf32>,
      %mul3A_44 = arith.constant 8 : i32
      %mul3A_45 = arith.muli %scan3A_19, %mul3A_44 : i32
      %mul3A_46 = arith.constant 16 : i32
      %mul3A_47 = arith.muli %mul3A_45, %mul3A_46 : i32
      %add3A_48 = arith.constant 48 : i32
      %add3A_49 = arith.addi %mul3A_47, %add3A_48 : i32
      %swap3A_50 = arith.index_cast %add3A_49 : i32 to index
      %swap3A_51 = tpu.vector_load %arg5[%swap3A_50] {strides = array<i32>} : memref<10240xf32, #tpu.memory_space<vmem>>, vector<16xf32>,
      tpu.vector_store %arg5[%swap3A_50], %broadcast_in_dim3A_1 {strides = array<i32>} : memref<10240xf32, #tpu.memory_space<vmem>>, vector<16xf32>,
      %mul3A_52 = arith.constant 8 : i32
      %mul3A_53 = arith.muli %scan3A_19, %mul3A_52 : i32
      %mul3A_54 = arith.constant 16 : i32
      %mul3A_55 = arith.muli %mul3A_53, %mul3A_54 : i32
      %add3A_56 = arith.constant 64 : i32
      %add3A_57 = arith.addi %mul3A_55, %add3A_56 : i32
      %swap3A_58 = arith.index_cast %add3A_57 : i32 to index
      %swap3A_59 = tpu.vector_load %arg5[%swap3A_58] {strides = array<i32>} : memref<10240xf32, #tpu.memory_space<vmem>>, vector<16xf32>,
      tpu.vector_store %arg5[%swap3A_58], %broadcast_in_dim3A_1 {strides = array<i32>} : memref<10240xf32, #tpu.memory_space<vmem>>, vector<16xf32>,
      %mul3A_60 = arith.constant 8 : i32
      %mul3A_61 = arith.muli %scan3A_19, %mul3A_60 : i32
      %mul3A_62 = arith.constant 16 : i32
      %mul3A_63 = arith.muli %mul3A_61, %mul3A_62 : i32
      %add3A_64 = arith.constant 80 : i32
      %add3A_65 = arith.addi %mul3A_63, %add3A_64 : i32
      %swap3A_66 = arith.index_cast %add3A_65 : i32 to index
      %swap3A_67 = tpu.vector_load %arg5[%swap3A_66] {strides = array<i32>} : memref<10240xf32, #tpu.memory_space<vmem>>, vector<16xf32>,
      tpu.vector_store %arg5[%swap3A_66], %broadcast_in_dim3A_1 {strides = array<i32>} : memref<10240xf32, #tpu.memory_space<vmem>>, vector<16xf32>,
      %mul3A_68 = arith.constant 8 : i32
      %mul3A_69 = arith.muli %scan3A_19, %mul3A_68 : i32
      %mul3A_70 = arith.constant 16 : i32
      %mul3A_71 = arith.muli %mul3A_69, %mul3A_70 : i32
      %add3A_72 = arith.constant 96 : i32
      %add3A_73 = arith.addi %mul3A_71, %add3A_72 : i32
      %swap3A_74 = arith.index_cast %add3A_73 : i32 to index
      %swap3A_75 = tpu.vector_load %arg5[%swap3A_74] {strides = array<i32>} : memref<10240xf32, #tpu.memory_space<vmem>>, vector<16xf32>,
      tpu.vector_store %arg5[%swap3A_74], %broadcast_in_dim3A_1 {strides = array<i32>} : memref<10240xf32, #tpu.memory_space<vmem>>, vector<16xf32>,
      %mul3A_76 = arith.constant 8 : i32
      %mul3A_77 = arith.muli %scan3A_19, %mul3A_76 : i32
      %mul3A_78 = arith.constant 16 : i32
      %mul3A_79 = arith.muli %mul3A_77, %mul3A_78 : i32
      %add3A_80 = arith.constant 112 : i32
      %add3A_81 = arith.addi %mul3A_79, %add3A_80 : i32
      %swap3A_82 = arith.index_cast %add3A_81 : i32 to index
      %swap3A_83 = tpu.vector_load %arg5[%swap3A_82] {strides = array<i32>} : memref<10240xf32, #tpu.memory_space<vmem>>, vector<16xf32>,
      tpu.vector_store %arg5[%swap3A_82], %broadcast_in_dim3A_1 {strides = array<i32>} : memref<10240xf32, #tpu.memory_space<vmem>>, vector<16xf32>,
      %scan3A_84 = arith.constant 0 : i32
      scf.yield %scan3A_84 : i32
    }
    %scan3A_7 = arith.constant 80 : i32
    %mul3A_8 = arith.constant 5120 : i32
    %mul3A_9 = arith.muli %add3A, %mul3A_8 : i32
    "tpu.region"() ({
      %run_scoped3A = tpu.sem_alloc : memref<!tpu.dma_semaphore, #tpu.memory_space<semaphore_mem>>
      %dma_start3A = tpu.memref_slice %arg2[%mul3A_9] : memref<163840xi32, #tpu.memory_space<hbm>> -> memref<5120xi32, #tpu.memory_space<hbm>>
      %dma_start3A_19 = tpu.memref_slice %arg2[%mul3A_9] : memref<163840xi32, #tpu.memory_space<hbm>> -> memref<5120xi32, #tpu.memory_space<hbm>>
      tpu.enqueue_dma source(%dma_start3A_19 : memref<5120xi32, #tpu.memory_space<hbm>>) target(%arg4 : memref<5120xi32, #tpu.memory_space<vmem>>) target_semaphore(%run_scoped3A : memref<!tpu.dma_semaphore, #tpu.memory_space<semaphore_mem>>)
      %dma_wait3A = tpu.memref_slice %arg2[%mul3A_9] : memref<163840xi32, #tpu.memory_space<hbm>> -> memref<5120xi32, #tpu.memory_space<hbm>>
      %dma_wait3A_20 = tpu.memref_slice %arg2[%mul3A_9] : memref<163840xi32, #tpu.memory_space<hbm>> -> memref<5120xi32, #tpu.memory_space<hbm>>
      tpu.wait_dma2 semaphore(%run_scoped3A : memref<!tpu.dma_semaphore, #tpu.memory_space<semaphore_mem>>) src(%dma_wait3A_20 : memref<5120xi32, #tpu.memory_space<hbm>>) dst(%arg4 : memref<5120xi32, #tpu.memory_space<vmem>>)
      tpu.yield
    }) : () -> ()
    %broadcast_in_dim3A_10 = arith.constant 1.000000e+00 : f32
    %broadcast_in_dim3A_11 = vector.broadcast %broadcast_in_dim3A_10 : f32 to vector<16xf32>
    %scan3A_12 = arith.constant 0 : i32
    %scan3A_13 = arith.constant 0 : i32
    %scan3A_14 = arith.constant 80 : i32
    %scan3A_15 = arith.addi %scan3A_13, %scan3A_14 : i32
    %scan3A_16 = arith.constant 1 : i32
    %scan3A_17 = scf.for %scan3A_19 = %scan3A_13 to %scan3A_15 step %scan3A_16 iter_args(%scan3A_20 = %scan3A_12) -> (i32)  : i32 {
      %mul3A_21 = arith.constant 4 : i32
      %mul3A_22 = arith.muli %scan3A_19, %mul3A_21 : i32
      %mul3A_23 = arith.constant 16 : i32
      %mul3A_24 = arith.muli %mul3A_22, %mul3A_23 : i32
      %add3A_25 = arith.constant 0 : i32
      %add3A_26 = arith.addi %mul3A_24, %add3A_25 : i32
      %get3A = arith.index_cast %add3A_26 : i32 to index
      %get3A_27 = tpu.vector_load %arg4[%get3A] {strides = array<i32>} : memref<5120xi32, #tpu.memory_space<vmem>>, vector<16xi32>,
      tpu.vector_store_idx %arg5[%get3A_27], %broadcast_in_dim3A_11 {add = true} : memref<10240xf32, #tpu.memory_space<vmem>>[vector<16xi32>], vector<16xf32>,
      %mul3A_28 = arith.constant 4 : i32
      %mul3A_29 = arith.muli %scan3A_19, %mul3A_28 : i32
      %mul3A_30 = arith.constant 16 : i32
      %mul3A_31 = arith.muli %mul3A_29, %mul3A_30 : i32
      %add3A_32 = arith.constant 16 : i32
      %add3A_33 = arith.addi %mul3A_31, %add3A_32 : i32
      %get3A_34 = arith.index_cast %add3A_33 : i32 to index
      %get3A_35 = tpu.vector_load %arg4[%get3A_34] {strides = array<i32>} : memref<5120xi32, #tpu.memory_space<vmem>>, vector<16xi32>,
      tpu.vector_store_idx %arg5[%get3A_35], %broadcast_in_dim3A_11 {add = true} : memref<10240xf32, #tpu.memory_space<vmem>>[vector<16xi32>], vector<16xf32>,
      %mul3A_36 = arith.constant 4 : i32
      %mul3A_37 = arith.muli %scan3A_19, %mul3A_36 : i32
      %mul3A_38 = arith.constant 16 : i32
      %mul3A_39 = arith.muli %mul3A_37, %mul3A_38 : i32
      %add3A_40 = arith.constant 32 : i32
      %add3A_41 = arith.addi %mul3A_39, %add3A_40 : i32
      %get3A_42 = arith.index_cast %add3A_41 : i32 to index
      %get3A_43 = tpu.vector_load %arg4[%get3A_42] {strides = array<i32>} : memref<5120xi32, #tpu.memory_space<vmem>>, vector<16xi32>,
      tpu.vector_store_idx %arg5[%get3A_43], %broadcast_in_dim3A_11 {add = true} : memref<10240xf32, #tpu.memory_space<vmem>>[vector<16xi32>], vector<16xf32>,
      %mul3A_44 = arith.constant 4 : i32
      %mul3A_45 = arith.muli %scan3A_19, %mul3A_44 : i32
      %mul3A_46 = arith.constant 16 : i32
      %mul3A_47 = arith.muli %mul3A_45, %mul3A_46 : i32
      %add3A_48 = arith.constant 48 : i32
      %add3A_49 = arith.addi %mul3A_47, %add3A_48 : i32
      %get3A_50 = arith.index_cast %add3A_49 : i32 to index
      %get3A_51 = tpu.vector_load %arg4[%get3A_50] {strides = array<i32>} : memref<5120xi32, #tpu.memory_space<vmem>>, vector<16xi32>,
      tpu.vector_store_idx %arg5[%get3A_51], %broadcast_in_dim3A_11 {add = true} : memref<10240xf32, #tpu.memory_space<vmem>>[vector<16xi32>], vector<16xf32>,
      %scan3A_52 = arith.constant 0 : i32
      scf.yield %scan3A_52 : i32
    }
    %scan3A_18 = arith.constant 80 : i32
    "tpu.region"() ({
      %run_scoped3A = tpu.sem_alloc : memref<!tpu.dma_semaphore, #tpu.memory_space<semaphore_mem>>
      %dma_start3A = arith.constant 0 : i32
      %dma_start3A_19 = tpu.memref_slice %arg3[%add3A, %dma_start3A] : memref<32x10240xf32, #tpu.memory_space<hbm>> -> memref<1x10240xf32, #tpu.memory_space<hbm>>
      %dma_start3A_20 = tpu.memref_squeeze %dma_start3A_19 : memref<1x10240xf32, #tpu.memory_space<hbm>> -> memref<10240xf32, #tpu.memory_space<hbm>>
      %dma_start3A_21 = arith.constant 0 : i32
      %dma_start3A_22 = tpu.memref_slice %arg3[%add3A, %dma_start3A_21] : memref<32x10240xf32, #tpu.memory_space<hbm>> -> memref<1x10240xf32, #tpu.memory_space<hbm>>
      %dma_start3A_23 = tpu.memref_squeeze %dma_start3A_22 : memref<1x10240xf32, #tpu.memory_space<hbm>> -> memref<10240xf32, #tpu.memory_space<hbm>>
      tpu.enqueue_dma source(%arg5 : memref<10240xf32, #tpu.memory_space<vmem>>) target(%dma_start3A_23 : memref<10240xf32, #tpu.memory_space<hbm>>) target_semaphore(%run_scoped3A : memref<!tpu.dma_semaphore, #tpu.memory_space<semaphore_mem>>)
      %dma_wait3A = arith.constant 0 : i32
      %dma_wait3A_24 = tpu.memref_slice %arg3[%add3A, %dma_wait3A] : memref<32x10240xf32, #tpu.memory_space<hbm>> -> memref<1x10240xf32, #tpu.memory_space<hbm>>
      %dma_wait3A_25 = tpu.memref_squeeze %dma_wait3A_24 : memref<1x10240xf32, #tpu.memory_space<hbm>> -> memref<10240xf32, #tpu.memory_space<hbm>>
      %dma_wait3A_26 = arith.constant 0 : i32
      %dma_wait3A_27 = tpu.memref_slice %arg3[%add3A, %dma_wait3A_26] : memref<32x10240xf32, #tpu.memory_space<hbm>> -> memref<1x10240xf32, #tpu.memory_space<hbm>>
      %dma_wait3A_28 = tpu.memref_squeeze %dma_wait3A_27 : memref<1x10240xf32, #tpu.memory_space<hbm>> -> memref<10240xf32, #tpu.memory_space<hbm>>
      tpu.wait_dma2 semaphore(%run_scoped3A : memref<!tpu.dma_semaphore, #tpu.memory_space<semaphore_mem>>) src(%arg5 : memref<10240xf32, #tpu.memory_space<vmem>>) dst(%dma_wait3A_28 : memref<10240xf32, #tpu.memory_space<hbm>>)
      tpu.yield
    }) : () -> ()
    return
  }
}

#map = affine_map<(d0, d1) -> (0, 0)>
module attributes {stable_mosaic.version = 14 : i64} {
  func.func @_agg_kernel(%arg0: i32, %arg1: i32, %arg2: memref<10240x128xf32, #tpu.memory_space<hbm>>, %arg3: memref<10240x128xf32, #tpu.memory_space<hbm>>, %arg4: memref<1280x128xi32, #tpu.memory_space<hbm>>, %arg5: memref<1280x128xi32, #tpu.memory_space<hbm>>, %arg6: memref<10240x128xf32, #tpu.memory_space<hbm>>, %arg7: memref<10240x128xf32, #tpu.memory_space<hbm>>, %arg8: memref<16x128xi32, #tpu.memory_space<vmem>>, %arg9: memref<16x128xi32, #tpu.memory_space<vmem>>, %arg10: memref<128x128xf32, #tpu.memory_space<vmem>>, %arg11: memref<128x128xf32, #tpu.memory_space<vmem>>, %arg12: memref<10240x128xf32, #tpu.memory_space<vmem_shared>>, %arg13: memref<!tpu.dma_semaphore, #tpu.memory_space<semaphore_mem>>, %arg14: memref<!tpu.dma_semaphore, #tpu.memory_space<semaphore_mem>>) attributes {dimension_semantics = [#tpu.dimension_semantics<core_parallel>, #tpu.dimension_semantics<subcore_parallel>], iteration_bounds = array<i64: 2, 16>, scalar_prefetch = 0 : i64, scratch_operands = 7 : i64, tpu.core_type = #tpu.core_type<sc_vector_subcore>, window_params = [{transform_indices = #map}, {transform_indices = #map}, {transform_indices = #map}, {transform_indices = #map}, {transform_indices = #map}, {transform_indices = #map}]} {
    %mul3A = arith.constant 640 : i32
    %mul3A_0 = arith.muli %arg1, %mul3A : i32
    %mul3A_1 = arith.constant 80 : i32
    %mul3A_2 = arith.muli %arg1, %mul3A_1 : i32
    %eq3A = arith.constant 0 : i32
    %eq3A_3 = arith.cmpi eq, %arg0, %eq3A : i32
    %convert_element_type3A = arith.extui %eq3A_3 : i1 to i32
    %cond3A = arith.constant 0 : i32
    %cond3A_4 = arith.cmpi ne, %convert_element_type3A, %cond3A : i32
    scf.if %cond3A_4 {
      "tpu.region"() ({
        %run_scoped3A = tpu.sem_alloc : memref<!tpu.dma_semaphore, #tpu.memory_space<semaphore_mem>>
        %dma_start3A = arith.constant 0 : i32
        %dma_start3A_17 = tpu.memref_slice %arg12[%mul3A_0, %dma_start3A] : memref<10240x128xf32, #tpu.memory_space<vmem_shared>> -> memref<640x128xf32, #tpu.memory_space<vmem_shared>>
        %dma_start3A_18 = arith.constant 0 : i32
        %dma_start3A_19 = tpu.memref_slice %arg2[%mul3A_0, %dma_start3A_18] : memref<10240x128xf32, #tpu.memory_space<hbm>> -> memref<640x128xf32, #tpu.memory_space<hbm>>
        tpu.enqueue_dma source(%dma_start3A_19 : memref<640x128xf32, #tpu.memory_space<hbm>>) target(%dma_start3A_17 : memref<640x128xf32, #tpu.memory_space<vmem_shared>>) target_semaphore(%run_scoped3A : memref<!tpu.dma_semaphore, #tpu.memory_space<semaphore_mem>>)
        %dma_wait3A = arith.constant 0 : i32
        %dma_wait3A_20 = tpu.memref_slice %arg12[%mul3A_0, %dma_wait3A] : memref<10240x128xf32, #tpu.memory_space<vmem_shared>> -> memref<640x128xf32, #tpu.memory_space<vmem_shared>>
        %dma_wait3A_21 = arith.constant 0 : i32
        %dma_wait3A_22 = tpu.memref_slice %arg2[%mul3A_0, %dma_wait3A_21] : memref<10240x128xf32, #tpu.memory_space<hbm>> -> memref<640x128xf32, #tpu.memory_space<hbm>>
        tpu.wait_dma2 semaphore(%run_scoped3A : memref<!tpu.dma_semaphore, #tpu.memory_space<semaphore_mem>>) src(%dma_wait3A_22 : memref<640x128xf32, #tpu.memory_space<hbm>>) dst(%dma_wait3A_20 : memref<640x128xf32, #tpu.memory_space<vmem_shared>>)
        tpu.yield
      }) : () -> ()
      %barrier3A = arith.constant 0 : index
      tpu.barrier barrier_id(%barrier3A)
      %scan3A = arith.constant 0 : i32
      %scan3A_10 = arith.constant 0 : i32
      %scan3A_11 = arith.constant 5 : i32
      %scan3A_12 = arith.addi %scan3A_10, %scan3A_11 : i32
      %scan3A_13 = arith.constant 1 : i32
      %scan3A_14 = scf.for %scan3A_17 = %scan3A_10 to %scan3A_12 step %scan3A_13 iter_args(%scan3A_18 = %scan3A) -> (i32)  : i32 {
        %mul3A_19 = arith.constant 16 : i32
        %mul3A_20 = arith.muli %scan3A_17, %mul3A_19 : i32
        %add3A = arith.addi %mul3A_2, %mul3A_20 : i32
        "tpu.region"() ({
          %run_scoped3A = tpu.sem_alloc : memref<!tpu.dma_semaphore, #tpu.memory_space<semaphore_mem>>
          %dma_start3A_35 = arith.constant 0 : i32
          %dma_start3A_36 = tpu.memref_slice %arg4[%add3A, %dma_start3A_35] : memref<1280x128xi32, #tpu.memory_space<hbm>> -> memref<16x128xi32, #tpu.memory_space<hbm>>
          %dma_start3A_37 = arith.constant 0 : i32
          %dma_start3A_38 = tpu.memref_slice %arg4[%add3A, %dma_start3A_37] : memref<1280x128xi32, #tpu.memory_space<hbm>> -> memref<16x128xi32, #tpu.memory_space<hbm>>
          tpu.enqueue_dma source(%dma_start3A_38 : memref<16x128xi32, #tpu.memory_space<hbm>>) target(%arg8 : memref<16x128xi32, #tpu.memory_space<vmem>>) target_semaphore(%run_scoped3A : memref<!tpu.dma_semaphore, #tpu.memory_space<semaphore_mem>>)
          %dma_wait3A = arith.constant 0 : i32
          %dma_wait3A_39 = tpu.memref_slice %arg4[%add3A, %dma_wait3A] : memref<1280x128xi32, #tpu.memory_space<hbm>> -> memref<16x128xi32, #tpu.memory_space<hbm>>
          %dma_wait3A_40 = arith.constant 0 : i32
          %dma_wait3A_41 = tpu.memref_slice %arg4[%add3A, %dma_wait3A_40] : memref<1280x128xi32, #tpu.memory_space<hbm>> -> memref<16x128xi32, #tpu.memory_space<hbm>>
          tpu.wait_dma2 semaphore(%run_scoped3A : memref<!tpu.dma_semaphore, #tpu.memory_space<semaphore_mem>>) src(%dma_wait3A_41 : memref<16x128xi32, #tpu.memory_space<hbm>>) dst(%arg8 : memref<16x128xi32, #tpu.memory_space<vmem>>)
          tpu.yield
        }) : () -> ()
        "tpu.region"() ({
          %run_scoped3A = tpu.sem_alloc : memref<!tpu.dma_semaphore, #tpu.memory_space<semaphore_mem>>
          %dma_start3A_35 = arith.constant 0 : i32
          %dma_start3A_36 = tpu.memref_slice %arg5[%add3A, %dma_start3A_35] : memref<1280x128xi32, #tpu.memory_space<hbm>> -> memref<16x128xi32, #tpu.memory_space<hbm>>
          %dma_start3A_37 = arith.constant 0 : i32
          %dma_start3A_38 = tpu.memref_slice %arg5[%add3A, %dma_start3A_37] : memref<1280x128xi32, #tpu.memory_space<hbm>> -> memref<16x128xi32, #tpu.memory_space<hbm>>
          tpu.enqueue_dma source(%dma_start3A_38 : memref<16x128xi32, #tpu.memory_space<hbm>>) target(%arg9 : memref<16x128xi32, #tpu.memory_space<vmem>>) target_semaphore(%run_scoped3A : memref<!tpu.dma_semaphore, #tpu.memory_space<semaphore_mem>>)
          %dma_wait3A = arith.constant 0 : i32
          %dma_wait3A_39 = tpu.memref_slice %arg5[%add3A, %dma_wait3A] : memref<1280x128xi32, #tpu.memory_space<hbm>> -> memref<16x128xi32, #tpu.memory_space<hbm>>
          %dma_wait3A_40 = arith.constant 0 : i32
          %dma_wait3A_41 = tpu.memref_slice %arg5[%add3A, %dma_wait3A_40] : memref<1280x128xi32, #tpu.memory_space<hbm>> -> memref<16x128xi32, #tpu.memory_space<hbm>>
          tpu.wait_dma2 semaphore(%run_scoped3A : memref<!tpu.dma_semaphore, #tpu.memory_space<semaphore_mem>>) src(%dma_wait3A_41 : memref<16x128xi32, #tpu.memory_space<hbm>>) dst(%arg9 : memref<16x128xi32, #tpu.memory_space<vmem>>)
          tpu.yield
        }) : () -> ()
        %dma_start3A = arith.constant 0 : i32
        %dma_start3A_21 = arith.constant 0 : i32
        %dma_start3A_22 = tpu.memref_slice %arg8[%dma_start3A, %dma_start3A_21] : memref<16x128xi32, #tpu.memory_space<vmem>> -> memref<1x128xi32, #tpu.memory_space<vmem>>
        %dma_start3A_23 = tpu.memref_squeeze %dma_start3A_22 : memref<1x128xi32, #tpu.memory_space<vmem>> -> memref<128xi32, #tpu.memory_space<vmem>>
        %dma_start3A_24 = arith.constant 0 : i32
        %dma_start3A_25 = arith.constant 0 : i32
        %dma_start3A_26 = tpu.memref_slice %arg2[%dma_start3A_24, %dma_start3A_25] : memref<10240x128xf32, #tpu.memory_space<hbm>> -> memref<10240x128xf32, #tpu.memory_space<hbm>>
        tpu.enqueue_indirect_dma source(%dma_start3A_26 : memref<10240x128xf32, #tpu.memory_space<hbm>>) target(%arg10 : memref<128x128xf32, #tpu.memory_space<vmem>>) offsets(%dma_start3A_23 : memref<128xi32, #tpu.memory_space<vmem>>) semaphore(%arg13 : memref<!tpu.dma_semaphore, #tpu.memory_space<semaphore_mem>>)
        %scan3A_27 = arith.constant 0 : i32
        %scan3A_28 = arith.constant 0 : i32
        %scan3A_29 = arith.constant 8 : i32
        %scan3A_30 = arith.addi %scan3A_28, %scan3A_29 : i32
        %scan3A_31 = arith.constant 1 : i32
        %scan3A_32 = scf.for %scan3A_35 = %scan3A_28 to %scan3A_30 step %scan3A_31 iter_args(%scan3A_36 = %scan3A_27) -> (i32)  : i32 {
          %mul3A_37 = arith.constant 2 : i32
          %mul3A_38 = arith.muli %mul3A_37, %scan3A_35 : i32
          %add3A_39 = arith.constant 1 : i32
          %add3A_40 = arith.addi %mul3A_38, %add3A_39 : i32
          %dma_start3A_41 = arith.constant 0 : i32
          %dma_start3A_42 = tpu.memref_slice %arg8[%add3A_40, %dma_start3A_41] : memref<16x128xi32, #tpu.memory_space<vmem>> -> memref<1x128xi32, #tpu.memory_space<vmem>>
          %dma_start3A_43 = tpu.memref_squeeze %dma_start3A_42 : memref<1x128xi32, #tpu.memory_space<vmem>> -> memref<128xi32, #tpu.memory_space<vmem>>
          %dma_start3A_44 = arith.constant 0 : i32
          %dma_start3A_45 = arith.constant 0 : i32
          %dma_start3A_46 = tpu.memref_slice %arg2[%dma_start3A_44, %dma_start3A_45] : memref<10240x128xf32, #tpu.memory_space<hbm>> -> memref<10240x128xf32, #tpu.memory_space<hbm>>
          tpu.enqueue_indirect_dma source(%dma_start3A_46 : memref<10240x128xf32, #tpu.memory_space<hbm>>) target(%arg11 : memref<128x128xf32, #tpu.memory_space<vmem>>) offsets(%dma_start3A_43 : memref<128xi32, #tpu.memory_space<vmem>>) semaphore(%arg14 : memref<!tpu.dma_semaphore, #tpu.memory_space<semaphore_mem>>)
          %dma_wait3A = arith.constant 0 : i32
          %dma_wait3A_47 = tpu.memref_slice %arg8[%mul3A_38, %dma_wait3A] : memref<16x128xi32, #tpu.memory_space<vmem>> -> memref<1x128xi32, #tpu.memory_space<vmem>>
          %dma_wait3A_48 = tpu.memref_squeeze %dma_wait3A_47 : memref<1x128xi32, #tpu.memory_space<vmem>> -> memref<128xi32, #tpu.memory_space<vmem>>
          %dma_wait3A_49 = arith.constant 0 : i32
          %dma_wait3A_50 = arith.constant 0 : i32
          %dma_wait3A_51 = tpu.memref_slice %arg2[%dma_wait3A_49, %dma_wait3A_50] : memref<10240x128xf32, #tpu.memory_space<hbm>> -> memref<10240x128xf32, #tpu.memory_space<hbm>>
          tpu.wait_indirect_dma semaphore(%arg13 : memref<!tpu.dma_semaphore, #tpu.memory_space<semaphore_mem>>) src(%dma_wait3A_51 : memref<10240x128xf32, #tpu.memory_space<hbm>>) dst(%arg10 : memref<128x128xf32, #tpu.memory_space<vmem>>)
          "tpu.region"() ({
            %run_scoped3A = tpu.sem_alloc : memref<!tpu.dma_semaphore, #tpu.memory_space<semaphore_mem>>
            %dma_start3A_67 = arith.constant 0 : i32
            %dma_start3A_68 = tpu.memref_slice %arg9[%mul3A_38, %dma_start3A_67] : memref<16x128xi32, #tpu.memory_space<vmem>> -> memref<1x128xi32, #tpu.memory_space<vmem>>
            %dma_start3A_69 = tpu.memref_squeeze %dma_start3A_68 : memref<1x128xi32, #tpu.memory_space<vmem>> -> memref<128xi32, #tpu.memory_space<vmem>>
            %dma_start3A_70 = arith.constant 0 : i32
            %dma_start3A_71 = arith.constant 0 : i32
            %dma_start3A_72 = tpu.memref_slice %arg12[%dma_start3A_70, %dma_start3A_71] : memref<10240x128xf32, #tpu.memory_space<vmem_shared>> -> memref<10240x128xf32, #tpu.memory_space<vmem_shared>>
            tpu.enqueue_indirect_dma source(%arg10 : memref<128x128xf32, #tpu.memory_space<vmem>>) target(%dma_start3A_72 : memref<10240x128xf32, #tpu.memory_space<vmem_shared>>) offsets(%dma_start3A_69 : memref<128xi32, #tpu.memory_space<vmem>>) semaphore(%run_scoped3A : memref<!tpu.dma_semaphore, #tpu.memory_space<semaphore_mem>>) {add = true}
            %dma_wait3A_73 = arith.constant 0 : i32
            %dma_wait3A_74 = tpu.memref_slice %arg9[%mul3A_38, %dma_wait3A_73] : memref<16x128xi32, #tpu.memory_space<vmem>> -> memref<1x128xi32, #tpu.memory_space<vmem>>
            %dma_wait3A_75 = tpu.memref_squeeze %dma_wait3A_74 : memref<1x128xi32, #tpu.memory_space<vmem>> -> memref<128xi32, #tpu.memory_space<vmem>>
            %dma_wait3A_76 = arith.constant 0 : i32
            %dma_wait3A_77 = arith.constant 0 : i32
            %dma_wait3A_78 = tpu.memref_slice %arg12[%dma_wait3A_76, %dma_wait3A_77] : memref<10240x128xf32, #tpu.memory_space<vmem_shared>> -> memref<10240x128xf32, #tpu.memory_space<vmem_shared>>
            tpu.wait_indirect_dma semaphore(%run_scoped3A : memref<!tpu.dma_semaphore, #tpu.memory_space<semaphore_mem>>) src(%arg10 : memref<128x128xf32, #tpu.memory_space<vmem>>) dst(%dma_wait3A_78 : memref<10240x128xf32, #tpu.memory_space<vmem_shared>>)
            tpu.yield
          }) : () -> ()
          %lt3A = arith.constant 7 : i32
          %lt3A_52 = arith.cmpi slt, %scan3A_35, %lt3A : i32
          %convert_element_type3A_53 = arith.extui %lt3A_52 : i1 to i32
          %cond3A_54 = arith.constant 0 : i32
          %cond3A_55 = arith.cmpi ne, %convert_element_type3A_53, %cond3A_54 : i32
          scf.if %cond3A_55 {
            %add3A_67 = arith.constant 2 : i32
            %add3A_68 = arith.addi %mul3A_38, %add3A_67 : i32
            %dma_start3A_69 = arith.constant 0 : i32
            %dma_start3A_70 = tpu.memref_slice %arg8[%add3A_68, %dma_start3A_69] : memref<16x128xi32, #tpu.memory_space<vmem>> -> memref<1x128xi32, #tpu.memory_space<vmem>>
            %dma_start3A_71 = tpu.memref_squeeze %dma_start3A_70 : memref<1x128xi32, #tpu.memory_space<vmem>> -> memref<128xi32, #tpu.memory_space<vmem>>
            %dma_start3A_72 = arith.constant 0 : i32
            %dma_start3A_73 = arith.constant 0 : i32
            %dma_start3A_74 = tpu.memref_slice %arg2[%dma_start3A_72, %dma_start3A_73] : memref<10240x128xf32, #tpu.memory_space<hbm>> -> memref<10240x128xf32, #tpu.memory_space<hbm>>
            tpu.enqueue_indirect_dma source(%dma_start3A_74 : memref<10240x128xf32, #tpu.memory_space<hbm>>) target(%arg10 : memref<128x128xf32, #tpu.memory_space<vmem>>) offsets(%dma_start3A_71 : memref<128xi32, #tpu.memory_space<vmem>>) semaphore(%arg13 : memref<!tpu.dma_semaphore, #tpu.memory_space<semaphore_mem>>)
          } else {
          }
          %add3A_56 = arith.constant 1 : i32
          %add3A_57 = arith.addi %mul3A_38, %add3A_56 : i32
          %dma_wait3A_58 = arith.constant 0 : i32
          %dma_wait3A_59 = tpu.memref_slice %arg8[%add3A_57, %dma_wait3A_58] : memref<16x128xi32, #tpu.memory_space<vmem>> -> memref<1x128xi32, #tpu.memory_space<vmem>>
          %dma_wait3A_60 = tpu.memref_squeeze %dma_wait3A_59 : memref<1x128xi32, #tpu.memory_space<vmem>> -> memref<128xi32, #tpu.memory_space<vmem>>
          %dma_wait3A_61 = arith.constant 0 : i32
          %dma_wait3A_62 = arith.constant 0 : i32
          %dma_wait3A_63 = tpu.memref_slice %arg2[%dma_wait3A_61, %dma_wait3A_62] : memref<10240x128xf32, #tpu.memory_space<hbm>> -> memref<10240x128xf32, #tpu.memory_space<hbm>>
          tpu.wait_indirect_dma semaphore(%arg14 : memref<!tpu.dma_semaphore, #tpu.memory_space<semaphore_mem>>) src(%dma_wait3A_63 : memref<10240x128xf32, #tpu.memory_space<hbm>>) dst(%arg11 : memref<128x128xf32, #tpu.memory_space<vmem>>)
          %add3A_64 = arith.constant 1 : i32
          %add3A_65 = arith.addi %mul3A_38, %add3A_64 : i32
          "tpu.region"() ({
            %run_scoped3A = tpu.sem_alloc : memref<!tpu.dma_semaphore, #tpu.memory_space<semaphore_mem>>
            %dma_start3A_67 = arith.constant 0 : i32
            %dma_start3A_68 = tpu.memref_slice %arg9[%add3A_65, %dma_start3A_67] : memref<16x128xi32, #tpu.memory_space<vmem>> -> memref<1x128xi32, #tpu.memory_space<vmem>>
            %dma_start3A_69 = tpu.memref_squeeze %dma_start3A_68 : memref<1x128xi32, #tpu.memory_space<vmem>> -> memref<128xi32, #tpu.memory_space<vmem>>
            %dma_start3A_70 = arith.constant 0 : i32
            %dma_start3A_71 = arith.constant 0 : i32
            %dma_start3A_72 = tpu.memref_slice %arg12[%dma_start3A_70, %dma_start3A_71] : memref<10240x128xf32, #tpu.memory_space<vmem_shared>> -> memref<10240x128xf32, #tpu.memory_space<vmem_shared>>
            tpu.enqueue_indirect_dma source(%arg11 : memref<128x128xf32, #tpu.memory_space<vmem>>) target(%dma_start3A_72 : memref<10240x128xf32, #tpu.memory_space<vmem_shared>>) offsets(%dma_start3A_69 : memref<128xi32, #tpu.memory_space<vmem>>) semaphore(%run_scoped3A : memref<!tpu.dma_semaphore, #tpu.memory_space<semaphore_mem>>) {add = true}
            %dma_wait3A_73 = arith.constant 0 : i32
            %dma_wait3A_74 = tpu.memref_slice %arg9[%add3A_65, %dma_wait3A_73] : memref<16x128xi32, #tpu.memory_space<vmem>> -> memref<1x128xi32, #tpu.memory_space<vmem>>
            %dma_wait3A_75 = tpu.memref_squeeze %dma_wait3A_74 : memref<1x128xi32, #tpu.memory_space<vmem>> -> memref<128xi32, #tpu.memory_space<vmem>>
            %dma_wait3A_76 = arith.constant 0 : i32
            %dma_wait3A_77 = arith.constant 0 : i32
            %dma_wait3A_78 = tpu.memref_slice %arg12[%dma_wait3A_76, %dma_wait3A_77] : memref<10240x128xf32, #tpu.memory_space<vmem_shared>> -> memref<10240x128xf32, #tpu.memory_space<vmem_shared>>
            tpu.wait_indirect_dma semaphore(%run_scoped3A : memref<!tpu.dma_semaphore, #tpu.memory_space<semaphore_mem>>) src(%arg11 : memref<128x128xf32, #tpu.memory_space<vmem>>) dst(%dma_wait3A_78 : memref<10240x128xf32, #tpu.memory_space<vmem_shared>>)
            tpu.yield
          }) : () -> ()
          %scan3A_66 = arith.constant 0 : i32
          scf.yield %scan3A_66 : i32
        }
        %scan3A_33 = arith.constant 8 : i32
        %scan3A_34 = arith.constant 0 : i32
        scf.yield %scan3A_34 : i32
      }
      %scan3A_15 = arith.constant 5 : i32
      %barrier3A_16 = arith.constant 0 : index
      tpu.barrier barrier_id(%barrier3A_16)
      "tpu.region"() ({
        %run_scoped3A = tpu.sem_alloc : memref<!tpu.dma_semaphore, #tpu.memory_space<semaphore_mem>>
        %dma_start3A = arith.constant 0 : i32
        %dma_start3A_17 = tpu.memref_slice %arg6[%mul3A_0, %dma_start3A] : memref<10240x128xf32, #tpu.memory_space<hbm>> -> memref<640x128xf32, #tpu.memory_space<hbm>>
        %dma_start3A_18 = arith.constant 0 : i32
        %dma_start3A_19 = tpu.memref_slice %arg12[%mul3A_0, %dma_start3A_18] : memref<10240x128xf32, #tpu.memory_space<vmem_shared>> -> memref<640x128xf32, #tpu.memory_space<vmem_shared>>
        tpu.enqueue_dma source(%dma_start3A_19 : memref<640x128xf32, #tpu.memory_space<vmem_shared>>) target(%dma_start3A_17 : memref<640x128xf32, #tpu.memory_space<hbm>>) target_semaphore(%run_scoped3A : memref<!tpu.dma_semaphore, #tpu.memory_space<semaphore_mem>>)
        %dma_wait3A = arith.constant 0 : i32
        %dma_wait3A_20 = tpu.memref_slice %arg6[%mul3A_0, %dma_wait3A] : memref<10240x128xf32, #tpu.memory_space<hbm>> -> memref<640x128xf32, #tpu.memory_space<hbm>>
        %dma_wait3A_21 = arith.constant 0 : i32
        %dma_wait3A_22 = tpu.memref_slice %arg12[%mul3A_0, %dma_wait3A_21] : memref<10240x128xf32, #tpu.memory_space<vmem_shared>> -> memref<640x128xf32, #tpu.memory_space<vmem_shared>>
        tpu.wait_dma2 semaphore(%run_scoped3A : memref<!tpu.dma_semaphore, #tpu.memory_space<semaphore_mem>>) src(%dma_wait3A_22 : memref<640x128xf32, #tpu.memory_space<vmem_shared>>) dst(%dma_wait3A_20 : memref<640x128xf32, #tpu.memory_space<hbm>>)
        tpu.yield
      }) : () -> ()
    } else {
    }
    %eq3A_5 = arith.constant 1 : i32
    %eq3A_6 = arith.cmpi eq, %arg0, %eq3A_5 : i32
    %convert_element_type3A_7 = arith.extui %eq3A_6 : i1 to i32
    %cond3A_8 = arith.constant 0 : i32
    %cond3A_9 = arith.cmpi ne, %convert_element_type3A_7, %cond3A_8 : i32
    scf.if %cond3A_9 {
      "tpu.region"() ({
        %run_scoped3A = tpu.sem_alloc : memref<!tpu.dma_semaphore, #tpu.memory_space<semaphore_mem>>
        %dma_start3A = arith.constant 0 : i32
        %dma_start3A_17 = tpu.memref_slice %arg12[%mul3A_0, %dma_start3A] : memref<10240x128xf32, #tpu.memory_space<vmem_shared>> -> memref<640x128xf32, #tpu.memory_space<vmem_shared>>
        %dma_start3A_18 = arith.constant 0 : i32
        %dma_start3A_19 = tpu.memref_slice %arg3[%mul3A_0, %dma_start3A_18] : memref<10240x128xf32, #tpu.memory_space<hbm>> -> memref<640x128xf32, #tpu.memory_space<hbm>>
        tpu.enqueue_dma source(%dma_start3A_19 : memref<640x128xf32, #tpu.memory_space<hbm>>) target(%dma_start3A_17 : memref<640x128xf32, #tpu.memory_space<vmem_shared>>) target_semaphore(%run_scoped3A : memref<!tpu.dma_semaphore, #tpu.memory_space<semaphore_mem>>)
        %dma_wait3A = arith.constant 0 : i32
        %dma_wait3A_20 = tpu.memref_slice %arg12[%mul3A_0, %dma_wait3A] : memref<10240x128xf32, #tpu.memory_space<vmem_shared>> -> memref<640x128xf32, #tpu.memory_space<vmem_shared>>
        %dma_wait3A_21 = arith.constant 0 : i32
        %dma_wait3A_22 = tpu.memref_slice %arg3[%mul3A_0, %dma_wait3A_21] : memref<10240x128xf32, #tpu.memory_space<hbm>> -> memref<640x128xf32, #tpu.memory_space<hbm>>
        tpu.wait_dma2 semaphore(%run_scoped3A : memref<!tpu.dma_semaphore, #tpu.memory_space<semaphore_mem>>) src(%dma_wait3A_22 : memref<640x128xf32, #tpu.memory_space<hbm>>) dst(%dma_wait3A_20 : memref<640x128xf32, #tpu.memory_space<vmem_shared>>)
        tpu.yield
      }) : () -> ()
      %barrier3A = arith.constant 0 : index
      tpu.barrier barrier_id(%barrier3A)
      %scan3A = arith.constant 0 : i32
      %scan3A_10 = arith.constant 0 : i32
      %scan3A_11 = arith.constant 5 : i32
      %scan3A_12 = arith.addi %scan3A_10, %scan3A_11 : i32
      %scan3A_13 = arith.constant 1 : i32
      %scan3A_14 = scf.for %scan3A_17 = %scan3A_10 to %scan3A_12 step %scan3A_13 iter_args(%scan3A_18 = %scan3A) -> (i32)  : i32 {
        %mul3A_19 = arith.constant 16 : i32
        %mul3A_20 = arith.muli %scan3A_17, %mul3A_19 : i32
        %add3A = arith.addi %mul3A_2, %mul3A_20 : i32
        "tpu.region"() ({
          %run_scoped3A = tpu.sem_alloc : memref<!tpu.dma_semaphore, #tpu.memory_space<semaphore_mem>>
          %dma_start3A_35 = arith.constant 0 : i32
          %dma_start3A_36 = tpu.memref_slice %arg4[%add3A, %dma_start3A_35] : memref<1280x128xi32, #tpu.memory_space<hbm>> -> memref<16x128xi32, #tpu.memory_space<hbm>>
          %dma_start3A_37 = arith.constant 0 : i32
          %dma_start3A_38 = tpu.memref_slice %arg4[%add3A, %dma_start3A_37] : memref<1280x128xi32, #tpu.memory_space<hbm>> -> memref<16x128xi32, #tpu.memory_space<hbm>>
          tpu.enqueue_dma source(%dma_start3A_38 : memref<16x128xi32, #tpu.memory_space<hbm>>) target(%arg8 : memref<16x128xi32, #tpu.memory_space<vmem>>) target_semaphore(%run_scoped3A : memref<!tpu.dma_semaphore, #tpu.memory_space<semaphore_mem>>)
          %dma_wait3A = arith.constant 0 : i32
          %dma_wait3A_39 = tpu.memref_slice %arg4[%add3A, %dma_wait3A] : memref<1280x128xi32, #tpu.memory_space<hbm>> -> memref<16x128xi32, #tpu.memory_space<hbm>>
          %dma_wait3A_40 = arith.constant 0 : i32
          %dma_wait3A_41 = tpu.memref_slice %arg4[%add3A, %dma_wait3A_40] : memref<1280x128xi32, #tpu.memory_space<hbm>> -> memref<16x128xi32, #tpu.memory_space<hbm>>
          tpu.wait_dma2 semaphore(%run_scoped3A : memref<!tpu.dma_semaphore, #tpu.memory_space<semaphore_mem>>) src(%dma_wait3A_41 : memref<16x128xi32, #tpu.memory_space<hbm>>) dst(%arg8 : memref<16x128xi32, #tpu.memory_space<vmem>>)
          tpu.yield
        }) : () -> ()
        "tpu.region"() ({
          %run_scoped3A = tpu.sem_alloc : memref<!tpu.dma_semaphore, #tpu.memory_space<semaphore_mem>>
          %dma_start3A_35 = arith.constant 0 : i32
          %dma_start3A_36 = tpu.memref_slice %arg5[%add3A, %dma_start3A_35] : memref<1280x128xi32, #tpu.memory_space<hbm>> -> memref<16x128xi32, #tpu.memory_space<hbm>>
          %dma_start3A_37 = arith.constant 0 : i32
          %dma_start3A_38 = tpu.memref_slice %arg5[%add3A, %dma_start3A_37] : memref<1280x128xi32, #tpu.memory_space<hbm>> -> memref<16x128xi32, #tpu.memory_space<hbm>>
          tpu.enqueue_dma source(%dma_start3A_38 : memref<16x128xi32, #tpu.memory_space<hbm>>) target(%arg9 : memref<16x128xi32, #tpu.memory_space<vmem>>) target_semaphore(%run_scoped3A : memref<!tpu.dma_semaphore, #tpu.memory_space<semaphore_mem>>)
          %dma_wait3A = arith.constant 0 : i32
          %dma_wait3A_39 = tpu.memref_slice %arg5[%add3A, %dma_wait3A] : memref<1280x128xi32, #tpu.memory_space<hbm>> -> memref<16x128xi32, #tpu.memory_space<hbm>>
          %dma_wait3A_40 = arith.constant 0 : i32
          %dma_wait3A_41 = tpu.memref_slice %arg5[%add3A, %dma_wait3A_40] : memref<1280x128xi32, #tpu.memory_space<hbm>> -> memref<16x128xi32, #tpu.memory_space<hbm>>
          tpu.wait_dma2 semaphore(%run_scoped3A : memref<!tpu.dma_semaphore, #tpu.memory_space<semaphore_mem>>) src(%dma_wait3A_41 : memref<16x128xi32, #tpu.memory_space<hbm>>) dst(%arg9 : memref<16x128xi32, #tpu.memory_space<vmem>>)
          tpu.yield
        }) : () -> ()
        %dma_start3A = arith.constant 0 : i32
        %dma_start3A_21 = arith.constant 0 : i32
        %dma_start3A_22 = tpu.memref_slice %arg8[%dma_start3A, %dma_start3A_21] : memref<16x128xi32, #tpu.memory_space<vmem>> -> memref<1x128xi32, #tpu.memory_space<vmem>>
        %dma_start3A_23 = tpu.memref_squeeze %dma_start3A_22 : memref<1x128xi32, #tpu.memory_space<vmem>> -> memref<128xi32, #tpu.memory_space<vmem>>
        %dma_start3A_24 = arith.constant 0 : i32
        %dma_start3A_25 = arith.constant 0 : i32
        %dma_start3A_26 = tpu.memref_slice %arg3[%dma_start3A_24, %dma_start3A_25] : memref<10240x128xf32, #tpu.memory_space<hbm>> -> memref<10240x128xf32, #tpu.memory_space<hbm>>
        tpu.enqueue_indirect_dma source(%dma_start3A_26 : memref<10240x128xf32, #tpu.memory_space<hbm>>) target(%arg10 : memref<128x128xf32, #tpu.memory_space<vmem>>) offsets(%dma_start3A_23 : memref<128xi32, #tpu.memory_space<vmem>>) semaphore(%arg13 : memref<!tpu.dma_semaphore, #tpu.memory_space<semaphore_mem>>)
        %scan3A_27 = arith.constant 0 : i32
        %scan3A_28 = arith.constant 0 : i32
        %scan3A_29 = arith.constant 8 : i32
        %scan3A_30 = arith.addi %scan3A_28, %scan3A_29 : i32
        %scan3A_31 = arith.constant 1 : i32
        %scan3A_32 = scf.for %scan3A_35 = %scan3A_28 to %scan3A_30 step %scan3A_31 iter_args(%scan3A_36 = %scan3A_27) -> (i32)  : i32 {
          %mul3A_37 = arith.constant 2 : i32
          %mul3A_38 = arith.muli %mul3A_37, %scan3A_35 : i32
          %add3A_39 = arith.constant 1 : i32
          %add3A_40 = arith.addi %mul3A_38, %add3A_39 : i32
          %dma_start3A_41 = arith.constant 0 : i32
          %dma_start3A_42 = tpu.memref_slice %arg8[%add3A_40, %dma_start3A_41] : memref<16x128xi32, #tpu.memory_space<vmem>> -> memref<1x128xi32, #tpu.memory_space<vmem>>
          %dma_start3A_43 = tpu.memref_squeeze %dma_start3A_42 : memref<1x128xi32, #tpu.memory_space<vmem>> -> memref<128xi32, #tpu.memory_space<vmem>>
          %dma_start3A_44 = arith.constant 0 : i32
          %dma_start3A_45 = arith.constant 0 : i32
          %dma_start3A_46 = tpu.memref_slice %arg3[%dma_start3A_44, %dma_start3A_45] : memref<10240x128xf32, #tpu.memory_space<hbm>> -> memref<10240x128xf32, #tpu.memory_space<hbm>>
          tpu.enqueue_indirect_dma source(%dma_start3A_46 : memref<10240x128xf32, #tpu.memory_space<hbm>>) target(%arg11 : memref<128x128xf32, #tpu.memory_space<vmem>>) offsets(%dma_start3A_43 : memref<128xi32, #tpu.memory_space<vmem>>) semaphore(%arg14 : memref<!tpu.dma_semaphore, #tpu.memory_space<semaphore_mem>>)
          %dma_wait3A = arith.constant 0 : i32
          %dma_wait3A_47 = tpu.memref_slice %arg8[%mul3A_38, %dma_wait3A] : memref<16x128xi32, #tpu.memory_space<vmem>> -> memref<1x128xi32, #tpu.memory_space<vmem>>
          %dma_wait3A_48 = tpu.memref_squeeze %dma_wait3A_47 : memref<1x128xi32, #tpu.memory_space<vmem>> -> memref<128xi32, #tpu.memory_space<vmem>>
          %dma_wait3A_49 = arith.constant 0 : i32
          %dma_wait3A_50 = arith.constant 0 : i32
          %dma_wait3A_51 = tpu.memref_slice %arg3[%dma_wait3A_49, %dma_wait3A_50] : memref<10240x128xf32, #tpu.memory_space<hbm>> -> memref<10240x128xf32, #tpu.memory_space<hbm>>
          tpu.wait_indirect_dma semaphore(%arg13 : memref<!tpu.dma_semaphore, #tpu.memory_space<semaphore_mem>>) src(%dma_wait3A_51 : memref<10240x128xf32, #tpu.memory_space<hbm>>) dst(%arg10 : memref<128x128xf32, #tpu.memory_space<vmem>>)
          "tpu.region"() ({
            %run_scoped3A = tpu.sem_alloc : memref<!tpu.dma_semaphore, #tpu.memory_space<semaphore_mem>>
            %dma_start3A_67 = arith.constant 0 : i32
            %dma_start3A_68 = tpu.memref_slice %arg9[%mul3A_38, %dma_start3A_67] : memref<16x128xi32, #tpu.memory_space<vmem>> -> memref<1x128xi32, #tpu.memory_space<vmem>>
            %dma_start3A_69 = tpu.memref_squeeze %dma_start3A_68 : memref<1x128xi32, #tpu.memory_space<vmem>> -> memref<128xi32, #tpu.memory_space<vmem>>
            %dma_start3A_70 = arith.constant 0 : i32
            %dma_start3A_71 = arith.constant 0 : i32
            %dma_start3A_72 = tpu.memref_slice %arg12[%dma_start3A_70, %dma_start3A_71] : memref<10240x128xf32, #tpu.memory_space<vmem_shared>> -> memref<10240x128xf32, #tpu.memory_space<vmem_shared>>
            tpu.enqueue_indirect_dma source(%arg10 : memref<128x128xf32, #tpu.memory_space<vmem>>) target(%dma_start3A_72 : memref<10240x128xf32, #tpu.memory_space<vmem_shared>>) offsets(%dma_start3A_69 : memref<128xi32, #tpu.memory_space<vmem>>) semaphore(%run_scoped3A : memref<!tpu.dma_semaphore, #tpu.memory_space<semaphore_mem>>) {add = true}
            %dma_wait3A_73 = arith.constant 0 : i32
            %dma_wait3A_74 = tpu.memref_slice %arg9[%mul3A_38, %dma_wait3A_73] : memref<16x128xi32, #tpu.memory_space<vmem>> -> memref<1x128xi32, #tpu.memory_space<vmem>>
            %dma_wait3A_75 = tpu.memref_squeeze %dma_wait3A_74 : memref<1x128xi32, #tpu.memory_space<vmem>> -> memref<128xi32, #tpu.memory_space<vmem>>
            %dma_wait3A_76 = arith.constant 0 : i32
            %dma_wait3A_77 = arith.constant 0 : i32
            %dma_wait3A_78 = tpu.memref_slice %arg12[%dma_wait3A_76, %dma_wait3A_77] : memref<10240x128xf32, #tpu.memory_space<vmem_shared>> -> memref<10240x128xf32, #tpu.memory_space<vmem_shared>>
            tpu.wait_indirect_dma semaphore(%run_scoped3A : memref<!tpu.dma_semaphore, #tpu.memory_space<semaphore_mem>>) src(%arg10 : memref<128x128xf32, #tpu.memory_space<vmem>>) dst(%dma_wait3A_78 : memref<10240x128xf32, #tpu.memory_space<vmem_shared>>)
            tpu.yield
          }) : () -> ()
          %lt3A = arith.constant 7 : i32
          %lt3A_52 = arith.cmpi slt, %scan3A_35, %lt3A : i32
          %convert_element_type3A_53 = arith.extui %lt3A_52 : i1 to i32
          %cond3A_54 = arith.constant 0 : i32
          %cond3A_55 = arith.cmpi ne, %convert_element_type3A_53, %cond3A_54 : i32
          scf.if %cond3A_55 {
            %add3A_67 = arith.constant 2 : i32
            %add3A_68 = arith.addi %mul3A_38, %add3A_67 : i32
            %dma_start3A_69 = arith.constant 0 : i32
            %dma_start3A_70 = tpu.memref_slice %arg8[%add3A_68, %dma_start3A_69] : memref<16x128xi32, #tpu.memory_space<vmem>> -> memref<1x128xi32, #tpu.memory_space<vmem>>
            %dma_start3A_71 = tpu.memref_squeeze %dma_start3A_70 : memref<1x128xi32, #tpu.memory_space<vmem>> -> memref<128xi32, #tpu.memory_space<vmem>>
            %dma_start3A_72 = arith.constant 0 : i32
            %dma_start3A_73 = arith.constant 0 : i32
            %dma_start3A_74 = tpu.memref_slice %arg3[%dma_start3A_72, %dma_start3A_73] : memref<10240x128xf32, #tpu.memory_space<hbm>> -> memref<10240x128xf32, #tpu.memory_space<hbm>>
            tpu.enqueue_indirect_dma source(%dma_start3A_74 : memref<10240x128xf32, #tpu.memory_space<hbm>>) target(%arg10 : memref<128x128xf32, #tpu.memory_space<vmem>>) offsets(%dma_start3A_71 : memref<128xi32, #tpu.memory_space<vmem>>) semaphore(%arg13 : memref<!tpu.dma_semaphore, #tpu.memory_space<semaphore_mem>>)
          } else {
          }
          %add3A_56 = arith.constant 1 : i32
          %add3A_57 = arith.addi %mul3A_38, %add3A_56 : i32
          %dma_wait3A_58 = arith.constant 0 : i32
          %dma_wait3A_59 = tpu.memref_slice %arg8[%add3A_57, %dma_wait3A_58] : memref<16x128xi32, #tpu.memory_space<vmem>> -> memref<1x128xi32, #tpu.memory_space<vmem>>
          %dma_wait3A_60 = tpu.memref_squeeze %dma_wait3A_59 : memref<1x128xi32, #tpu.memory_space<vmem>> -> memref<128xi32, #tpu.memory_space<vmem>>
          %dma_wait3A_61 = arith.constant 0 : i32
          %dma_wait3A_62 = arith.constant 0 : i32
          %dma_wait3A_63 = tpu.memref_slice %arg3[%dma_wait3A_61, %dma_wait3A_62] : memref<10240x128xf32, #tpu.memory_space<hbm>> -> memref<10240x128xf32, #tpu.memory_space<hbm>>
          tpu.wait_indirect_dma semaphore(%arg14 : memref<!tpu.dma_semaphore, #tpu.memory_space<semaphore_mem>>) src(%dma_wait3A_63 : memref<10240x128xf32, #tpu.memory_space<hbm>>) dst(%arg11 : memref<128x128xf32, #tpu.memory_space<vmem>>)
          %add3A_64 = arith.constant 1 : i32
          %add3A_65 = arith.addi %mul3A_38, %add3A_64 : i32
          "tpu.region"() ({
            %run_scoped3A = tpu.sem_alloc : memref<!tpu.dma_semaphore, #tpu.memory_space<semaphore_mem>>
            %dma_start3A_67 = arith.constant 0 : i32
            %dma_start3A_68 = tpu.memref_slice %arg9[%add3A_65, %dma_start3A_67] : memref<16x128xi32, #tpu.memory_space<vmem>> -> memref<1x128xi32, #tpu.memory_space<vmem>>
            %dma_start3A_69 = tpu.memref_squeeze %dma_start3A_68 : memref<1x128xi32, #tpu.memory_space<vmem>> -> memref<128xi32, #tpu.memory_space<vmem>>
            %dma_start3A_70 = arith.constant 0 : i32
            %dma_start3A_71 = arith.constant 0 : i32
            %dma_start3A_72 = tpu.memref_slice %arg12[%dma_start3A_70, %dma_start3A_71] : memref<10240x128xf32, #tpu.memory_space<vmem_shared>> -> memref<10240x128xf32, #tpu.memory_space<vmem_shared>>
            tpu.enqueue_indirect_dma source(%arg11 : memref<128x128xf32, #tpu.memory_space<vmem>>) target(%dma_start3A_72 : memref<10240x128xf32, #tpu.memory_space<vmem_shared>>) offsets(%dma_start3A_69 : memref<128xi32, #tpu.memory_space<vmem>>) semaphore(%run_scoped3A : memref<!tpu.dma_semaphore, #tpu.memory_space<semaphore_mem>>) {add = true}
            %dma_wait3A_73 = arith.constant 0 : i32
            %dma_wait3A_74 = tpu.memref_slice %arg9[%add3A_65, %dma_wait3A_73] : memref<16x128xi32, #tpu.memory_space<vmem>> -> memref<1x128xi32, #tpu.memory_space<vmem>>
            %dma_wait3A_75 = tpu.memref_squeeze %dma_wait3A_74 : memref<1x128xi32, #tpu.memory_space<vmem>> -> memref<128xi32, #tpu.memory_space<vmem>>
            %dma_wait3A_76 = arith.constant 0 : i32
            %dma_wait3A_77 = arith.constant 0 : i32
            %dma_wait3A_78 = tpu.memref_slice %arg12[%dma_wait3A_76, %dma_wait3A_77] : memref<10240x128xf32, #tpu.memory_space<vmem_shared>> -> memref<10240x128xf32, #tpu.memory_space<vmem_shared>>
            tpu.wait_indirect_dma semaphore(%run_scoped3A : memref<!tpu.dma_semaphore, #tpu.memory_space<semaphore_mem>>) src(%arg11 : memref<128x128xf32, #tpu.memory_space<vmem>>) dst(%dma_wait3A_78 : memref<10240x128xf32, #tpu.memory_space<vmem_shared>>)
            tpu.yield
          }) : () -> ()
          %scan3A_66 = arith.constant 0 : i32
          scf.yield %scan3A_66 : i32
        }
        %scan3A_33 = arith.constant 8 : i32
        %scan3A_34 = arith.constant 0 : i32
        scf.yield %scan3A_34 : i32
      }
      %scan3A_15 = arith.constant 5 : i32
      %barrier3A_16 = arith.constant 0 : index
      tpu.barrier barrier_id(%barrier3A_16)
      "tpu.region"() ({
        %run_scoped3A = tpu.sem_alloc : memref<!tpu.dma_semaphore, #tpu.memory_space<semaphore_mem>>
        %dma_start3A = arith.constant 0 : i32
        %dma_start3A_17 = tpu.memref_slice %arg7[%mul3A_0, %dma_start3A] : memref<10240x128xf32, #tpu.memory_space<hbm>> -> memref<640x128xf32, #tpu.memory_space<hbm>>
        %dma_start3A_18 = arith.constant 0 : i32
        %dma_start3A_19 = tpu.memref_slice %arg12[%mul3A_0, %dma_start3A_18] : memref<10240x128xf32, #tpu.memory_space<vmem_shared>> -> memref<640x128xf32, #tpu.memory_space<vmem_shared>>
        tpu.enqueue_dma source(%dma_start3A_19 : memref<640x128xf32, #tpu.memory_space<vmem_shared>>) target(%dma_start3A_17 : memref<640x128xf32, #tpu.memory_space<hbm>>) target_semaphore(%run_scoped3A : memref<!tpu.dma_semaphore, #tpu.memory_space<semaphore_mem>>)
        %dma_wait3A = arith.constant 0 : i32
        %dma_wait3A_20 = tpu.memref_slice %arg7[%mul3A_0, %dma_wait3A] : memref<10240x128xf32, #tpu.memory_space<hbm>> -> memref<640x128xf32, #tpu.memory_space<hbm>>
        %dma_wait3A_21 = arith.constant 0 : i32
        %dma_wait3A_22 = tpu.memref_slice %arg12[%mul3A_0, %dma_wait3A_21] : memref<10240x128xf32, #tpu.memory_space<vmem_shared>> -> memref<640x128xf32, #tpu.memory_space<vmem_shared>>
        tpu.wait_dma2 semaphore(%run_scoped3A : memref<!tpu.dma_semaphore, #tpu.memory_space<semaphore_mem>>) src(%dma_wait3A_22 : memref<640x128xf32, #tpu.memory_space<vmem_shared>>) dst(%dma_wait3A_20 : memref<640x128xf32, #tpu.memory_space<hbm>>)
        tpu.yield
      }) : () -> ()
    } else {
    }
    return
  }
}

module attributes {stable_mosaic.version = 14 : i64} {
  func.func @_mm_body(%arg0: i32, %arg1: memref<512x256xf32, #tpu.memory_space<vmem>>, %arg2: memref<256x256xf32, #tpu.memory_space<vmem>>, %arg3: memref<512x32xf32, #tpu.memory_space<vmem>>, %arg4: memref<512x128xf32, #tpu.memory_space<vmem>>, %arg5: memref<512x128xf32, #tpu.memory_space<vmem>>, %arg6: memref<512x1xf32, #tpu.memory_space<vmem>>) attributes {dimension_semantics = [#tpu.dimension_semantics<arbitrary>], iteration_bounds = array<i64: 20>, scalar_prefetch = 0 : i64, scratch_operands = 0 : i64, tpu.core_type = #tpu.core_type<tc>, window_params = [{transform_indices = @transform_0, window_bounds = array<i64: 512, 256>}, {pipeline_mode = #tpu.pipeline_mode<synchronous>, transform_indices = @transform_1, window_bounds = array<i64: 256, 256>}, {transform_indices = @transform_2, window_bounds = array<i64: 512, 32>}, {transform_indices = @transform_3, window_bounds = array<i64: 512, 128>}, {transform_indices = @transform_4, window_bounds = array<i64: 512, 128>}, {transform_indices = @transform_5, window_bounds = array<i64: 512, 1>}]} {
    %get3A = arith.constant 0 : index
    %get3A_0 = arith.constant 0 : index
    %get3A_1 = vector.load %arg1[%get3A, %get3A_0] : memref<512x256xf32, #tpu.memory_space<vmem>>, vector<512x256xf32>
    %convert_element_type3A = arith.truncf %get3A_1 : vector<512x256xf32> to vector<512x256xbf16>
    %get3A_2 = arith.constant 0 : index
    %get3A_3 = arith.constant 0 : index
    %get3A_4 = vector.load %arg2[%get3A_2, %get3A_3] : memref<256x256xf32, #tpu.memory_space<vmem>>, vector<256x256xf32>
    %convert_element_type3A_5 = arith.truncf %get3A_4 : vector<256x256xf32> to vector<256x256xbf16>
    %dot_general3A = arith.constant dense<0.000000e+00> : vector<512x256xf32>
    %dot_general3A_6 = tpu.matmul %convert_element_type3A, %convert_element_type3A_5, %dot_general3A {dimension_numbers = #tpu.dot_dimension_numbers<[1], [0], [0], [1], [0, 0, 1, 1], [], []>, transpose_lhs_hint = false} : vector<512x256xbf16>, vector<256x256xbf16>, vector<512x256xf32> -> vector<512x256xf32>
    %get3A_7 = arith.constant 0 : index
    %get3A_8 = arith.constant 0 : index
    %get3A_9 = vector.load %arg3[%get3A_7, %get3A_8] : memref<512x32xf32, #tpu.memory_space<vmem>>, vector<512x32xf32>
    %reduce_sum3A = arith.constant dense<0.000000e+00> : vector<512xf32>
    %reduce_sum3A_10 = vector.multi_reduction <add>, %get3A_9, %reduce_sum3A [1] : vector<512x32xf32> to vector<512xf32>
    %broadcast_in_dim3A = vector.shape_cast %reduce_sum3A_10 : vector<512xf32> to vector<512x1xf32>
    %add3A = arith.constant 1.000000e+00 : f32
    %add3A_11 = vector.broadcast %add3A : f32 to vector<512x1xf32>
    %add3A_12 = arith.addf %broadcast_in_dim3A, %add3A_11 : vector<512x1xf32>
    %rsqrt3A = math.rsqrt %add3A_12 : vector<512x1xf32>
    %mul3A = vector.broadcast %rsqrt3A : vector<512x1xf32> to vector<512x256xf32>
    %mul3A_13 = arith.mulf %dot_general3A_6, %mul3A : vector<512x256xf32>
    %slice3A = vector.extract_strided_slice %mul3A_13 {offsets = [0, 0], sizes = [512, 128], strides = [1, 1]} : vector<512x256xf32> to vector<512x128xf32>
    %swap3A = arith.constant 0 : index
    %swap3A_14 = arith.constant 0 : index
    %swap3A_15 = vector.load %arg4[%swap3A, %swap3A_14] : memref<512x128xf32, #tpu.memory_space<vmem>>, vector<512x128xf32>
    tpu.vector_store %arg4[%swap3A, %swap3A_14], %slice3A {strides = array<i32>} : memref<512x128xf32, #tpu.memory_space<vmem>>, vector<512x128xf32>,
    %slice3A_16 = vector.extract_strided_slice %mul3A_13 {offsets = [0, 128], sizes = [512, 128], strides = [1, 1]} : vector<512x256xf32> to vector<512x128xf32>
    %swap3A_17 = arith.constant 0 : index
    %swap3A_18 = arith.constant 0 : index
    %swap3A_19 = vector.load %arg5[%swap3A_17, %swap3A_18] : memref<512x128xf32, #tpu.memory_space<vmem>>, vector<512x128xf32>
    tpu.vector_store %arg5[%swap3A_17, %swap3A_18], %slice3A_16 {strides = array<i32>} : memref<512x128xf32, #tpu.memory_space<vmem>>, vector<512x128xf32>,
    %swap3A_20 = arith.constant 0 : index
    %swap3A_21 = arith.constant 0 : index
    %swap3A_22 = vector.load %arg6[%swap3A_20, %swap3A_21] : memref<512x1xf32, #tpu.memory_space<vmem>>, vector<512x1xf32>
    tpu.vector_store %arg6[%swap3A_20, %swap3A_21], %rsqrt3A {strides = array<i32>} : memref<512x1xf32, #tpu.memory_space<vmem>>, vector<512x1xf32>,
    return
  }
  func.func @transform_0(%arg0: i32) -> (i32, i32) {
    %c0_i32 = arith.constant 0 : i32
    %c0_i32_0 = arith.constant 0 : i32
    return %arg0, %c0_i32 : i32, i32
  }
  func.func @transform_1(%arg0: i32) -> (i32, i32) {
    %c0_i32 = arith.constant 0 : i32
    %c0_i32_0 = arith.constant 0 : i32
    %c0_i32_1 = arith.constant 0 : i32
    return %c0_i32, %c0_i32_0 : i32, i32
  }
  func.func @transform_2(%arg0: i32) -> (i32, i32) {
    %c0_i32 = arith.constant 0 : i32
    %c0_i32_0 = arith.constant 0 : i32
    return %arg0, %c0_i32 : i32, i32
  }
  func.func @transform_3(%arg0: i32) -> (i32, i32) {
    %c0_i32 = arith.constant 0 : i32
    %c0_i32_0 = arith.constant 0 : i32
    return %arg0, %c0_i32 : i32, i32
  }
  func.func @transform_4(%arg0: i32) -> (i32, i32) {
    %c0_i32 = arith.constant 0 : i32
    %c0_i32_0 = arith.constant 0 : i32
    return %arg0, %c0_i32 : i32, i32
  }
  func.func @transform_5(%arg0: i32) -> (i32, i32) {
    %c0_i32 = arith.constant 0 : i32
    %c0_i32_0 = arith.constant 0 : i32
    return %arg0, %c0_i32 : i32, i32
  }
}

module attributes {stable_mosaic.version = 14 : i64} {
  func.func @_final_body(%arg0: i32, %arg1: memref<512x128xf32, #tpu.memory_space<vmem>>, %arg2: memref<512x128xf32, #tpu.memory_space<vmem>>, %arg3: memref<512x1xf32, #tpu.memory_space<vmem>>, %arg4: memref<1x256xf32, #tpu.memory_space<vmem>>, %arg5: memref<512x256xf32, #tpu.memory_space<vmem>>) attributes {dimension_semantics = [#tpu.dimension_semantics<arbitrary>], iteration_bounds = array<i64: 20>, scalar_prefetch = 0 : i64, scratch_operands = 0 : i64, tpu.core_type = #tpu.core_type<tc>, window_params = [{transform_indices = @transform_0, window_bounds = array<i64: 512, 128>}, {transform_indices = @transform_1, window_bounds = array<i64: 512, 128>}, {transform_indices = @transform_2, window_bounds = array<i64: 512, 1>}, {pipeline_mode = #tpu.pipeline_mode<synchronous>, transform_indices = @transform_3, window_bounds = array<i64: 1, 256>}, {transform_indices = @transform_4, window_bounds = array<i64: 512, 256>}]} {
    %get3A = arith.constant 0 : index
    %get3A_0 = arith.constant 0 : index
    %get3A_1 = vector.load %arg3[%get3A, %get3A_0] : memref<512x1xf32, #tpu.memory_space<vmem>>, vector<512x1xf32>
    %get3A_2 = arith.constant 0 : index
    %get3A_3 = arith.constant 0 : index
    %get3A_4 = vector.load %arg4[%get3A_2, %get3A_3] : memref<1x256xf32, #tpu.memory_space<vmem>>, vector<1x256xf32>
    %get3A_5 = arith.constant 0 : index
    %get3A_6 = arith.constant 0 : index
    %get3A_7 = vector.load %arg1[%get3A_5, %get3A_6] : memref<512x128xf32, #tpu.memory_space<vmem>>, vector<512x128xf32>
    %mul3A = vector.broadcast %get3A_1 : vector<512x1xf32> to vector<512x128xf32>
    %mul3A_8 = arith.mulf %mul3A, %get3A_7 : vector<512x128xf32>
    %slice3A = vector.extract_strided_slice %get3A_4 {offsets = [0, 0], sizes = [1, 128], strides = [1, 1]} : vector<1x256xf32> to vector<1x128xf32>
    %add3A = vector.broadcast %slice3A : vector<1x128xf32> to vector<512x128xf32>
    %add3A_9 = arith.addf %mul3A_8, %add3A : vector<512x128xf32>
    %swap3A = arith.constant 0 : index
    %swap3A_10 = arith.constant 0 : index
    %swap3A_11 = vector.load %arg5[%swap3A, %swap3A_10] : memref<512x256xf32, #tpu.memory_space<vmem>>, vector<512x128xf32>
    tpu.vector_store %arg5[%swap3A, %swap3A_10], %add3A_9 {strides = array<i32>} : memref<512x256xf32, #tpu.memory_space<vmem>>, vector<512x128xf32>,
    %get3A_12 = arith.constant 0 : index
    %get3A_13 = arith.constant 0 : index
    %get3A_14 = vector.load %arg2[%get3A_12, %get3A_13] : memref<512x128xf32, #tpu.memory_space<vmem>>, vector<512x128xf32>
    %mul3A_15 = vector.broadcast %get3A_1 : vector<512x1xf32> to vector<512x128xf32>
    %mul3A_16 = arith.mulf %mul3A_15, %get3A_14 : vector<512x128xf32>
    %slice3A_17 = vector.extract_strided_slice %get3A_4 {offsets = [0, 128], sizes = [1, 128], strides = [1, 1]} : vector<1x256xf32> to vector<1x128xf32>
    %add3A_18 = vector.broadcast %slice3A_17 : vector<1x128xf32> to vector<512x128xf32>
    %add3A_19 = arith.addf %mul3A_16, %add3A_18 : vector<512x128xf32>
    %swap3A_20 = arith.constant 0 : index
    %swap3A_21 = arith.constant 128 : index
    %swap3A_22 = vector.load %arg5[%swap3A_20, %swap3A_21] : memref<512x256xf32, #tpu.memory_space<vmem>>, vector<512x128xf32>
    tpu.vector_store %arg5[%swap3A_20, %swap3A_21], %add3A_19 {strides = array<i32>} : memref<512x256xf32, #tpu.memory_space<vmem>>, vector<512x128xf32>,
    return
  }
  func.func @transform_0(%arg0: i32) -> (i32, i32) {
    %c0_i32 = arith.constant 0 : i32
    %c0_i32_0 = arith.constant 0 : i32
    return %arg0, %c0_i32 : i32, i32
  }
  func.func @transform_1(%arg0: i32) -> (i32, i32) {
    %c0_i32 = arith.constant 0 : i32
    %c0_i32_0 = arith.constant 0 : i32
    return %arg0, %c0_i32 : i32, i32
  }
  func.func @transform_2(%arg0: i32) -> (i32, i32) {
    %c0_i32 = arith.constant 0 : i32
    %c0_i32_0 = arith.constant 0 : i32
    return %arg0, %c0_i32 : i32, i32
  }
  func.func @transform_3(%arg0: i32) -> (i32, i32) {
    %c0_i32 = arith.constant 0 : i32
    %c0_i32_0 = arith.constant 0 : i32
    %c0_i32_1 = arith.constant 0 : i32
    return %c0_i32, %c0_i32_0 : i32, i32
  }
  func.func @transform_4(%arg0: i32) -> (i32, i32) {
    %c0_i32 = arith.constant 0 : i32
    %c0_i32_0 = arith.constant 0 : i32
    return %arg0, %c0_i32 : i32, i32
  }
}

</mosaic_0001>

<sc_bundles>
// kernel: kernel.6.cloned.1.call-start
scs
__scs_entry_jumppad:
0x0: {  	(pc) =	sbr.rel $0x88, $3  }
0x1: {  	(tag) =	ssettag $0x0;
	lr =	simm.s32 $0x1  }
0x2: {  	[smem:$0x3F9D] =	sst lr;
	_ =	strace $0xD0000000  }
0x3: {  	_ = 	snop  }
0x4: {  	_ = 	snop  }
0x5: {  	_ = 	snop  }
0x6: {  	_ = 	snop  }
0x7: {  	_ = 	snop  }
__scs_overlays_trampoline_lowered:
0x8: {  	[smem:$0x3FAC] =	sst s0  }
0x9: {  	[smem:$0x3FAD] =	sst s1  }
0xa: {  	[smem:$0x3FAE] =	sst s2  }
0xb: {  	[smem:$0x3FAF] =	sst s3  }
0xc: {  	[smem:$0x3FB0] =	sst s4  }
0xd: {  	[smem:$0x3FB1] =	sst s5  }
0xe: {  	[smem:$0x3FB2] =	sst s6  }
0xf: {  	[smem:$0x3FB3] =	sst s7  }
0x10: {  	[smem:$0x3FB4] =	sst s8  }
0x11: {  	[smem:$0x3FB5] =	sst s9;
	s0 =	simm.s32 @!p0 $0x0  }
0x12: {  	s1 =	sld [smem:$0x3F9B];
	s0 =	simm.s32 @p0 $0x1  }
0x13: {  	[smem:$0x3FB6] =	sst s0;
	s0 =	simm.s32 @!p1 $0x0  }
0x14: {  	s2 =	sld [smem:$0x3F9A];
	s0 =	simm.s32 @p1 $0x1  }
0x15: {  	[smem:$0x3FB7] =	sst s0;
	s0 =	simm.s32 @!p2 $0x0  }
0x16: {  	s3 =	sld [smem:$0x3FDB];
	s0 =	simm.s32 @p2 $0x1  }
0x17: {  	s4 =	simm.s32 $0x1BF5;
	[smem:$0x3FB9] =	sst s0  }
0x18: {  	s0 =	sld [smem:$0x3F9C];
	_ =	swait.ge [sflag:s4], $0x0  }
0x19: {  	s7 =	sld [smem:$0x3F9D]  }
0x1a: {  	s8 =	sadd.s32 $0xFFFFE003, lr  }
0x1b: {  	s9 =	sadd.s32 $0xFFFFFEF7, lr;
	s5 =	simm.s32 $0xFFFFFFFF;
	p2 =	slt.u32 s8, $0xFFFFF086  }
0x1c: {  	p1 =	slt.u32 s9, $0xF7A;
	s5 =	simm.s32 @!p2 $0x0  }
0x1d: {  	s5 =	simm.s32 @p1 $0x1;
	p0 =	seq.s32 s7, s2  }
0x1e: {  	s7 =	smul.u32 @!p0 $0xF7A, s2;
	p2 =	seq.s32 @!p0 s5, $0x0  }
0x1f: {  	s9 =	smul.u32 $0xF7A, s1;
	s8 =	simm.s32 @!p0 $0x1BF5;
	p2 =	por !p2, p0  }
0x20: {  	[sflag:s8] =	ssyncset.s32 @!p0 $0xFFFFF086;
	s6 =	sadd.s32 @!p0 s3, s7;
	s7 =	simm.s32 @!p0 $0x108  }
0x21: {  	s3 =	sadd.s32 s3, s9;
	s6 =	sadd.s32 @!p0 $0x88, s6;
	s7 =	simm.s32 @p2 $0x1082  }
0x22: {  	[simem:s7], [sflag:s8] =	dma.local @!p0 [hbm:s6], $0xF7A  }
0x23: {  	s9 =	sor.u32 $0xD0000000, s2;
	s6 =	simm.s32 $0x108;
	_ =	swait.ge @!p0 [sflag:s8], $0x0  }
0x24: {  	s3 =	sadd.s32 $0x88, s3;
	s6 =	simm.s32 @!p1 $0x1082;
	[sflag:s4] =	ssyncset.s32 $0xFFFFF086  }
0x25: {  	[simem:s6], [sflag:s4] =	dma.local [hbm:s3], $0xF7A  }
0x26: {  	[smem:$0x3F9D] =	sst s1;
	(tag) =	ssettag s2;
	_ =	strace s9  }
0x27: {  	s1 =	sld [smem:$0x3FAD]  }
0x28: {  	s2 =	sld [smem:$0x3FAE]  }
0x29: {  	s4 =	sld [smem:$0x3FB0]  }
0x2a: {  	p0 =	seq.s32 s5, $0x0;
	s5 =	sld [smem:$0x3FB1]  }
0x2b: {  	s6 =	sld [smem:$0x3FB2]  }
0x2c: {  	s7 =	sld [smem:$0x3FB3]  }
0x2d: {  	s3 =	simm.s32 $0x108;
	s8 =	sld [smem:$0x3FB4]  }
0x2e: {  	s3 =	simm.s32 @!p0 $0x1082;
	s9 =	sld [smem:$0x3FB5]  }
0x2f: {  	lr =	sadd.s32 s0, s3;
	s0 =	sld [smem:$0x3FAC]  }
0x30: {  	s3 =	sld [smem:$0x3FAF]  }
0x31: {  	[smem:$0x3FB8] =	sst s10  }
0x32: {  	s10 =	sld [smem:$0x3FB6];
	_ =	sdelay $0x3  }
0x33: {  	p0 =	seq.s32 s10, $0x1;
	s10 =	sld [smem:$0x3FB8];
	_ =	sdelay $0x3  }
0x34: {  	[smem:$0x3FB8] =	sst s10  }
0x35: {  	s10 =	sld [smem:$0x3FB7];
	_ =	sdelay $0x3  }
0x36: {  	p1 =	seq.s32 s10, $0x1;
	s10 =	sld [smem:$0x3FB8];
	_ =	sdelay $0x3  }
0x37: {  	[smem:$0x3FB8] =	sst s10  }
0x38: {  	s10 =	sld [smem:$0x3FB9]  }
0x39: {  	_ = 	snop;
	(pc) =	sbr.ind lr, $3  }
0x3a: {  	_ = 	snop  }
0x3b: {  	_ = 	snop  }
0x3c: {  	p2 =	seq.s32 s10, $0x1;
	s10 =	sld [smem:$0x3FB8]  }
0x3d: {  	_ =	shalt  }
0x3e: {  	_ =	shalt  }
0x3f: {  	_ =	shalt  }
0x40: {  	_ =	shalt  }
0x41: {  	_ =	shalt  }
0x42: {  	_ =	shalt  }
0x43: {  	_ =	shalt  }
0x44: {  	_ =	shalt  }
0x45: {  	_ =	shalt  }
0x46: {  	_ =	shalt  }
0x47: {  	_ =	shalt  }
0x48: {  	_ =	shalt  }
0x49: {  	_ =	shalt  }
0x4a: {  	_ =	shalt  }
0x4b: {  	_ =	shalt  }
0x4c: {  	_ =	shalt  }
0x4d: {  	_ =	shalt  }
0x4e: {  	_ =	shalt  }
0x4f: {  	_ =	shalt  }
0x50: {  	_ =	shalt  }
0x51: {  	_ =	shalt  }
0x52: {  	_ =	shalt  }
0x53: {  	_ =	shalt  }
0x54: {  	_ =	shalt  }
0x55: {  	_ =	shalt  }
0x56: {  	_ =	shalt  }
0x57: {  	_ =	shalt  }
0x58: {  	_ =	shalt  }
0x59: {  	_ =	shalt  }
0x5a: {  	_ =	shalt  }
0x5b: {  	_ =	shalt  }
0x5c: {  	_ =	shalt  }
0x5d: {  	_ =	shalt  }
0x5e: {  	_ =	shalt  }
0x5f: {  	_ =	shalt  }
0x60: {  	_ =	shalt  }
0x61: {  	_ =	shalt  }
0x62: {  	_ =	shalt  }
0x63: {  	_ =	shalt  }
0x64: {  	_ =	shalt  }
0x65: {  	_ =	shalt  }
0x66: {  	_ =	shalt  }
0x67: {  	_ =	shalt  }
0x68: {  	_ =	shalt  }
0x69: {  	_ =	shalt  }
0x6a: {  	_ =	shalt  }
0x6b: {  	_ =	shalt  }
0x6c: {  	_ =	shalt  }
0x6d: {  	_ =	shalt  }
0x6e: {  	_ =	shalt  }
0x6f: {  	_ =	shalt  }
0x70: {  	_ =	shalt  }
0x71: {  	_ =	shalt  }
0x72: {  	_ =	shalt  }
0x73: {  	_ =	shalt  }
0x74: {  	_ =	shalt  }
0x75: {  	_ =	shalt  }
0x76: {  	_ =	shalt  }
0x77: {  	_ =	shalt  }
0x78: {  	_ =	shalt  }
0x79: {  	_ =	shalt  }
0x7a: {  	_ =	shalt  }
0x7b: {  	_ =	shalt  }
0x7c: {  	_ =	shalt  }
0x7d: {  	_ =	shalt  }
0x7e: {  	_ =	shalt  }
0x7f: {  	_ =	shalt  }
0x80: {  	_ =	shalt  }
0x81: {  	_ =	shalt  }
0x82: {  	_ =	shalt  }
0x83: {  	_ =	shalt  }
0x84: {  	_ =	shalt  }
0x85: {  	_ =	shalt  }
0x86: {  	_ =	shalt  }
0x87: {  	_ =	shalt  }
.Lfunc_end0:
.L_simem_size_0:
called_computation_lowered:
.L_overlay_start_0:
0x88: {  	s2 =	sld [smem:$0x3FD9]  }
0x89: {  	s3 =	sld [smem:$0x3FFE];
	_ =	sdelay $0x1  }
0x8a: {  	s1 =	srdreg.scid  }
0x8b: {  	s0 =	sand.u32 $0x1, s1  }
0x8c: {  	s17 =	sshll.u32 s0, $0xA;
	s2 =	sadd.s32 s3, s2  }
0x8d: {  	s2 =	sadd.s32 s2, s17  }
0x8e: {  	[smem:$0x3FC4] =	sst s2  }
0x8f: {  	_ = 	snop  }
0x90: {  	s2 =	sld [smem:$0x3FD0];
	(tm) =	ssettm $0x1  }
0x91: {  	s18 =	sld [smem:$0x3FFB];
	_ =	sdelay $0x3  }
0x92: {  	_ =	strace s18  }
0x93: {  	s3 =	sld [smem:$0x3FFC];
	_ =	sdelay $0x3  }
0x94: {  	_ =	strace s3  }
0x95: {  	s3 =	sld [smem:$0x3FFD];
	_ =	sdelay $0x3  }
0x96: {  	_ =	strace s3  }
0x97: {  	_ =	strace $0x8FFFFFFF  }
0x98: {  	s19 =	sld [smem:$0x3FDB];
	_ =	sdelay $0x1  }
0x99: {  	s4 =	simm.s32 $_scs_section_size  }
0x9a: {  	s5 =	simm.s32 $_size__tile_overlayer_lowered;
	s6 =	simm.s32 $_tile_overlayer_lowered  }
0x9b: {  	s22 =	simm.s32 $0x1BFF;
	s21 =	sshll.u32 s6, $0x1;
	s3 =	sadd.s32 s4, s19  }
0x9c: {  	s7 =	simm.s32 $0x0;
	s20 =	sshll.u32 s5, $0x1;
	s5 =	sadd.s32 s21, s3  }
0x9d: {  	[timem:s7], [sflag:s22] =	dma.local [hbm:s5], s20  }
0x9e: {  	_ =	swait.ge [sflag:s22], s20  }
0x9f: {  	s4 =	ssub.s32 $0x0, s20;
	[sflag:s22] =	ssyncset.done $0x0  }
0xa0: {  	[sflag:s22] =	ssyncadd.s32 s4;
	_ =	sdelay $0x1  }
0xa1: {  	s23 =	simm.s32 $0x1B8B  }
0xa2: {  	_ =	swait.ge [sflag:s23], $0x1  }
0xa3: {  	[sflag:s23] =	ssyncset.done $0x0  }
0xa4: {  	s25 =	simm.s32 $0x1B8E;
	s24 =	sld [smem:$0x3FFE];
	[sflag:s23] =	ssyncadd.s32 $0xFFFFFFFF  }
0xa5: {  	s26 =	simm.s32 $execute0_lowered;
	[smem:$0x3FD2] =	sst s25  }
0xa6: {  	s5 =	sshll.u32 s26, $0x1;
	_ =	strace $0x80000046;
	[dreg:$0x1] =	wrdreg $0xFFFFFFFF  }
0xa7: {  	s28 =	simm.s32 $_size_execute0_lowered;
	s3 =	sadd.s32 s3, s5;
	[dreg:$0x0] =	wrdreg $0x0  }
0xa8: {  	s5 =	sshll.u32 s28, $0x1;
	[dreg:$0x2] =	wrdreg s3  }
0xa9: {  	[dreg:$0x3] =	wrdreg s5  }
0xaa: {  	[dreg:$0x4] =	wrdreg $0xC0  }
0xab: {  	_ =	task [dreg:s7], $0x5FFFF  }
0xac: {  	[dreg:$0x1] =	wrdreg $0xFFFFFFFF  }
0xad: {  	[dreg:$0x0] =	wrdreg $0x60  }
0xae: {  	[dreg:$0x2] =	wrdreg s24  }
0xaf: {  	[dreg:$0x3] =	wrdreg s2  }
0xb0: {  	[dreg:$0x4] =	wrdreg $0x9  }
0xb1: {  	_ =	task.clear_ibuf [dreg:s7], $0x5FFFF;
	_ =	strace $0x90000046  }
0xb2: {  	s29 =	simm.s32 $0x9;
	_ =	strace $0x80000048  }
0xb3: {  	_ =	swait.ge [sflag:s29], $0x1  }
0xb4: {  	[sflag:s29] =	ssyncadd.s32 $0xFFFFFFFF  }
0xb5: {  	_ =	strace $0x90000048  }
0xb6: {  	_ =	sfence  }
0xb7: {  	s30 =	sld [smem:$0x0];
	_ =	sdelay $0x2  }
0xb8: {  	s31 =	sshll.u32 s1, $0xD;
	s1 =	sshrl.u32 s1, $0x2  }
0xb9: {  	s3 =	sand.u32 $0x4000, s31;
	s1 =	sadd.s32 s1, s30  }
0xba: {  	s0 =	sor.u32 s3, s0;
	s1 =	sshll.u32 s1, $0x11  }
0xbb: {  	s0 =	sor.u32 s1, s0  }
0xbc: {  	s0 =	sadd.s32 $0x8F2B, s0  }
0xbd: {  	[sflag:s0] =	ssyncadd.remote.s32 $0x1  }
0xbe: {  	_ =	sfence.sel $0xFFFF  }
0xbf: {  	[dreg:$0x0] =	wrdreg $0xFFFFFFFF;
	(pc) =	sbr.abs _section_cstart, $3  }
0xc0: {  	[dreg:$0x1] =	wrdreg $0xFFFFFFFF  }
0xc1: {  	_ =	task.clear_ibuf [dreg:s7], $0x2FFFF;
	_ =	strace $0x9FFFFFFF  }
0xc2: {  	(tm) =	ssettm $0x7FFFFFFF  }
0xc3: {  	_ =	shalt  }
tec
execute0_lowered:
.L_overlay_start_1:
0x0: {  	(tag) =	ssettag $0x1  }
0x1: {  	s0 =	srdreg.scid;
	s3 =	rddreg [dreg:$0x0]  }
0x2: {  	s5 =	rddreg [dreg:$0x1];
	s1 =	stileid.u32;
	s4 =	sand.u32 $0x1, s0  }
0x3: {  	s9 =	simm.s32 $0x400;
	s0 =	rddreg [dreg:$0x2];
	s2 =	sshll.u32 s4, $0x4  }
0x4: {  	s8 =	sshll.u32 s1, $0x7;
	s4 =	ssub.s32 $0x2, s4;
	s6 =	sor.u32 s1, s2  }
0x5: {  	s2 =	simm.s32 $0x0;
	s7 =	smul.u32 $0x280, s6;
	s6 =	sshrl.u32 s6, $0x3  }
0x6: {  	s8 =	sand.u32 $0x380, s8;
	[smem:$0x7FF] =	sst s2;
	s6 =	smul.u32 $0x14000, s6  }
0x7: {  	s30 =	sshrl.u32 s4, $0x1;
	_ =	strace $0x80000047;
	s3 =	sadd.s32 s7, s3  }
0x8: {  	s7 =	ssub.s32 s4, s30;
	s6 =	sor.u32 s8, s6;
	s3 =	sadd.s32 $0x1600, s3  }
0x9: {  	s8 =	simm.s32 $0x80;
	s31 =	sshrl.u32 s6, $0x3;
	s6 =	simm.s32 $0x1  }
0xa: {  	v0 =	vimm.f32 $0.0e+00;
	v1 =	vimm.f32 $1.000000000e+00;
	s4 =	sadd.s32 s5, s31;
	s5 =	smax.u32 s7, $0x1;
	s7 =	simm.s32 $0x1400  }
.LBB2_1:
0xb: {  	s10 =	simm.s32 $0x0;
	s11 =	simm.s32 $0x200  }
.LBB2_2:
0xc: {  	p0 =	sne.s32 s11, $0x9E00;
	[tilespmem:s10+$0x1470] =	vst v0  }
0xd: {  	[tilespmem:s10+$0x1400] =	vst v0  }
0xe: {  	[tilespmem:s10+$0x1410] =	vst v0  }
.Ltmp0:
0xf: {  	[tilespmem:s10+$0x1420] =	vst v0;
	(pc) =	sbr.rel @p0 .LBB2_2-.Ltmp0, $4  }
0x10: {  	[tilespmem:s10+$0x1430] =	vst v0  }
0x11: {  	[tilespmem:s10+$0x1440] =	vst v0  }
0x12: {  	[tilespmem:s10+$0x1450] =	vst v0  }
0x13: {  	[tilespmem:s10+$0x1460] =	vst v0;
	s10 =	sshra.s32 s11, $0x2;
	s11 =	sadd.s32 $0x200, s11  }
0x14: {  	[tilespmem:s10+$0x1470] =	vst v0  }
0x15: {  	[tilespmem:s10+$0x1400] =	vst v0  }
0x16: {  	[tilespmem:s10+$0x1410] =	vst v0  }
0x17: {  	[tilespmem:s10+$0x1420] =	vst v0  }
0x18: {  	[tilespmem:s10+$0x1430] =	vst v0  }
0x19: {  	[tilespmem:s10+$0x1440] =	vst v0  }
0x1a: {  	[tilespmem:s10+$0x1450] =	vst v0  }
0x1b: {  	[tilespmem:s10+$0x1460] =	vst v0;
	s10 =	simm.s32 $0x0  }
0x1c: {  	[tilespmem:s10], [sflag:$0x1] =	stream.linear.gather [hbm4b:s3+s10], $0x1400, $0x38;
	[tilespmem:$0x3C00] =	vst v63  }
0x1d: {  	_ =	swait.ge [sflag:s6], $0x1400  }
0x1e: {  	[sflag:s6] =	ssyncset.done $0x0  }
0x1f: {  	[sflag:s6] =	ssyncadd.s32 $0xFFFFEC00  }
.LBB2_4:
0x20: {  	s11 =	sshra.s32 s10, $0x2  }
0x21: {  	v2 =	vld [tilespmem:s11+$0x0];
	_ =	sdelay $0x7  }
0x22: {  	[tilespmem:v2+s7+$0x0] =	vst.idx.add.f32.msk $0xffff, v1  }
0x23: {  	v2 =	vld [tilespmem:s11+$0x10];
	_ =	sdelay $0x7  }
0x24: {  	[tilespmem:v2+s7+$0x0] =	vst.idx.add.f32.msk $0xffff, v1  }
0x25: {  	v2 =	vld [tilespmem:s11+$0x20];
	_ =	sdelay $0x7  }
0x26: {  	[tilespmem:v2+s7+$0x0] =	vst.idx.add.f32.msk $0xffff, v1  }
0x27: {  	v2 =	vld [tilespmem:s11+$0x30];
	_ =	sdelay $0x2  }
0x28: {  	p0 =	sne.s32 s10, $0x4F00  }
.Ltmp1:
0x29: {  	_ = 	snop;
	(pc) =	sbr.rel @p0 .LBB2_4-.Ltmp1, $2  }
0x2a: {  	_ =	sdelay $0x2  }
0x2b: {  	s10 =	sadd.s32 $0x100, s10;
	[tilespmem:v2+s7+$0x0] =	vst.idx.add.f32.msk $0xffff, v1  }
0x2c: {  	s2 =	sadd.s32 $0x1, s2  }
0x2d: {  	p0 =	sne.s32 s2, s5  }
.Ltmp2:
0x2e: {  	_ = 	snop;
	(pc) =	sbr.rel @p0 .LBB2_1-.Ltmp2, $4  }
0x2f: {  	[hbm4b:s4+s8] =	stream.strided.scatter [tilespmem:s7], [sflag:$0x1], $0x2800, s9, s8, $0x38;
	[tilespmem:$0x3C00] =	vst v63  }
0x30: {  	_ =	swait.ge [sflag:s6], $0x2800  }
0x31: {  	[sflag:s6] =	ssyncset.done $0x0  }
0x32: {  	[sflag:s6] =	ssyncadd.s32 $0xFFFFD800  }
0x33: {  	_ =	sfence.sel $0x180000  }
0x34: {  	[bflag:$0x0] =	sbarrier.arrive $0xFFFF  }
0x35: {  	p0 =	sne.s32 s1, $0x0;
	_ =	strace $0x90000047  }
0x36: {  	s0 =	sadd.s32 @!p0 $0x100000, s0;
	[bflag:$0x2] =	sbarrier.arrive $0xFFFF  }
0x37: {  	[sflag:s0] =	ssyncadd.tile.s32 @!p0 $0x1;
	_ =	shalt  }
.Lfunc_end2:
_tile_overlayer_lowered:
.L_overlay_start_2:
0x38: {  	(tag) =	ssettag $0x2  }
0x39: {  	s0 =	rddreg [dreg:$0x0];
	s2 =	stileid.u32  }
0x3a: {  	s1 =	rddreg [dreg:$0x1];
	p0 =	sne.s32 s2, $0x0  }
0x3b: {  	s3 =	rddreg [dreg:$0x2];
	[bflag:$0x3] =	sbarrier.arrive $0xFFFF;
	s2 =	simm.s32 @!p0 $0x1C01  }
0x3c: {  	[timem:s3], [sflag:s2] =	dma.local @!p0 [hbm:s0], s1  }
0x3d: {  	s0 =	simm.s32 @!p0 $0x1  }
0x3e: {  	_ =	swait.ge @!p0 [sflag:s0], s1  }
0x3f: {  	s1 =	ssub.s32 @!p0 $0x0, s1;
	[sflag:s0] =	ssyncset.done @!p0 $0x0  }
0x40: {  	[sflag:s0] =	ssyncadd.s32 @!p0 s1  }
0x41: {  	[bflag:$0x3] =	sbarrier.arrive $0xFFFF  }
0x42: {  	_ =	shalt  }

// kernel: kernel.9.cloned.1.call-start
scs
__scs_entry_jumppad:
0x0: {  	(pc) =	sbr.rel $0x88, $3  }
0x1: {  	(tag) =	ssettag $0x0;
	lr =	simm.s32 $0x1  }
0x2: {  	[smem:$0x3F9D] =	sst lr;
	_ =	strace $0xD0000000  }
0x3: {  	_ = 	snop  }
0x4: {  	_ = 	snop  }
0x5: {  	_ = 	snop  }
0x6: {  	_ = 	snop  }
0x7: {  	_ = 	snop  }
__scs_overlays_trampoline_lowered:
0x8: {  	[smem:$0x3FAC] =	sst s0  }
0x9: {  	[smem:$0x3FAD] =	sst s1  }
0xa: {  	[smem:$0x3FAE] =	sst s2  }
0xb: {  	[smem:$0x3FAF] =	sst s3  }
0xc: {  	[smem:$0x3FB0] =	sst s4  }
0xd: {  	[smem:$0x3FB1] =	sst s5  }
0xe: {  	[smem:$0x3FB2] =	sst s6  }
0xf: {  	[smem:$0x3FB3] =	sst s7  }
0x10: {  	[smem:$0x3FB4] =	sst s8  }
0x11: {  	[smem:$0x3FB5] =	sst s9;
	s0 =	simm.s32 @!p0 $0x0  }
0x12: {  	s1 =	sld [smem:$0x3F9B];
	s0 =	simm.s32 @p0 $0x1  }
0x13: {  	[smem:$0x3FB6] =	sst s0;
	s0 =	simm.s32 @!p1 $0x0  }
0x14: {  	s2 =	sld [smem:$0x3F9A];
	s0 =	simm.s32 @p1 $0x1  }
0x15: {  	[smem:$0x3FB7] =	sst s0;
	s0 =	simm.s32 @!p2 $0x0  }
0x16: {  	s3 =	sld [smem:$0x3FDB];
	s0 =	simm.s32 @p2 $0x1  }
0x17: {  	s4 =	simm.s32 $0x1BF5;
	[smem:$0x3FB9] =	sst s0  }
0x18: {  	s0 =	sld [smem:$0x3F9C];
	_ =	swait.ge [sflag:s4], $0x0  }
0x19: {  	s7 =	sld [smem:$0x3F9D]  }
0x1a: {  	s8 =	sadd.s32 $0xFFFFE003, lr  }
0x1b: {  	s9 =	sadd.s32 $0xFFFFFEF7, lr;
	s5 =	simm.s32 $0xFFFFFFFF;
	p2 =	slt.u32 s8, $0xFFFFF086  }
0x1c: {  	p1 =	slt.u32 s9, $0xF7A;
	s5 =	simm.s32 @!p2 $0x0  }
0x1d: {  	s5 =	simm.s32 @p1 $0x1;
	p0 =	seq.s32 s7, s2  }
0x1e: {  	s7 =	smul.u32 @!p0 $0xF7A, s2;
	p2 =	seq.s32 @!p0 s5, $0x0  }
0x1f: {  	s9 =	smul.u32 $0xF7A, s1;
	s8 =	simm.s32 @!p0 $0x1BF5;
	p2 =	por !p2, p0  }
0x20: {  	[sflag:s8] =	ssyncset.s32 @!p0 $0xFFFFF086;
	s6 =	sadd.s32 @!p0 s3, s7;
	s7 =	simm.s32 @!p0 $0x108  }
0x21: {  	s3 =	sadd.s32 s3, s9;
	s6 =	sadd.s32 @!p0 $0x88, s6;
	s7 =	simm.s32 @p2 $0x1082  }
0x22: {  	[simem:s7], [sflag:s8] =	dma.local @!p0 [hbm:s6], $0xF7A  }
0x23: {  	s9 =	sor.u32 $0xD0000000, s2;
	s6 =	simm.s32 $0x108;
	_ =	swait.ge @!p0 [sflag:s8], $0x0  }
0x24: {  	s3 =	sadd.s32 $0x88, s3;
	s6 =	simm.s32 @!p1 $0x1082;
	[sflag:s4] =	ssyncset.s32 $0xFFFFF086  }
0x25: {  	[simem:s6], [sflag:s4] =	dma.local [hbm:s3], $0xF7A  }
0x26: {  	[smem:$0x3F9D] =	sst s1;
	(tag) =	ssettag s2;
	_ =	strace s9  }
0x27: {  	s1 =	sld [smem:$0x3FAD]  }
0x28: {  	s2 =	sld [smem:$0x3FAE]  }
0x29: {  	s4 =	sld [smem:$0x3FB0]  }
0x2a: {  	p0 =	seq.s32 s5, $0x0;
	s5 =	sld [smem:$0x3FB1]  }
0x2b: {  	s6 =	sld [smem:$0x3FB2]  }
0x2c: {  	s7 =	sld [smem:$0x3FB3]  }
0x2d: {  	s3 =	simm.s32 $0x108;
	s8 =	sld [smem:$0x3FB4]  }
0x2e: {  	s3 =	simm.s32 @!p0 $0x1082;
	s9 =	sld [smem:$0x3FB5]  }
0x2f: {  	lr =	sadd.s32 s0, s3;
	s0 =	sld [smem:$0x3FAC]  }
0x30: {  	s3 =	sld [smem:$0x3FAF]  }
0x31: {  	[smem:$0x3FB8] =	sst s10  }
0x32: {  	s10 =	sld [smem:$0x3FB6];
	_ =	sdelay $0x3  }
0x33: {  	p0 =	seq.s32 s10, $0x1;
	s10 =	sld [smem:$0x3FB8];
	_ =	sdelay $0x3  }
0x34: {  	[smem:$0x3FB8] =	sst s10  }
0x35: {  	s10 =	sld [smem:$0x3FB7];
	_ =	sdelay $0x3  }
0x36: {  	p1 =	seq.s32 s10, $0x1;
	s10 =	sld [smem:$0x3FB8];
	_ =	sdelay $0x3  }
0x37: {  	[smem:$0x3FB8] =	sst s10  }
0x38: {  	s10 =	sld [smem:$0x3FB9]  }
0x39: {  	_ = 	snop;
	(pc) =	sbr.ind lr, $3  }
0x3a: {  	_ = 	snop  }
0x3b: {  	_ = 	snop  }
0x3c: {  	p2 =	seq.s32 s10, $0x1;
	s10 =	sld [smem:$0x3FB8]  }
0x3d: {  	_ =	shalt  }
0x3e: {  	_ =	shalt  }
0x3f: {  	_ =	shalt  }
0x40: {  	_ =	shalt  }
0x41: {  	_ =	shalt  }
0x42: {  	_ =	shalt  }
0x43: {  	_ =	shalt  }
0x44: {  	_ =	shalt  }
0x45: {  	_ =	shalt  }
0x46: {  	_ =	shalt  }
0x47: {  	_ =	shalt  }
0x48: {  	_ =	shalt  }
0x49: {  	_ =	shalt  }
0x4a: {  	_ =	shalt  }
0x4b: {  	_ =	shalt  }
0x4c: {  	_ =	shalt  }
0x4d: {  	_ =	shalt  }
0x4e: {  	_ =	shalt  }
0x4f: {  	_ =	shalt  }
0x50: {  	_ =	shalt  }
0x51: {  	_ =	shalt  }
0x52: {  	_ =	shalt  }
0x53: {  	_ =	shalt  }
0x54: {  	_ =	shalt  }
0x55: {  	_ =	shalt  }
0x56: {  	_ =	shalt  }
0x57: {  	_ =	shalt  }
0x58: {  	_ =	shalt  }
0x59: {  	_ =	shalt  }
0x5a: {  	_ =	shalt  }
0x5b: {  	_ =	shalt  }
0x5c: {  	_ =	shalt  }
0x5d: {  	_ =	shalt  }
0x5e: {  	_ =	shalt  }
0x5f: {  	_ =	shalt  }
0x60: {  	_ =	shalt  }
0x61: {  	_ =	shalt  }
0x62: {  	_ =	shalt  }
0x63: {  	_ =	shalt  }
0x64: {  	_ =	shalt  }
0x65: {  	_ =	shalt  }
0x66: {  	_ =	shalt  }
0x67: {  	_ =	shalt  }
0x68: {  	_ =	shalt  }
0x69: {  	_ =	shalt  }
0x6a: {  	_ =	shalt  }
0x6b: {  	_ =	shalt  }
0x6c: {  	_ =	shalt  }
0x6d: {  	_ =	shalt  }
0x6e: {  	_ =	shalt  }
0x6f: {  	_ =	shalt  }
0x70: {  	_ =	shalt  }
0x71: {  	_ =	shalt  }
0x72: {  	_ =	shalt  }
0x73: {  	_ =	shalt  }
0x74: {  	_ =	shalt  }
0x75: {  	_ =	shalt  }
0x76: {  	_ =	shalt  }
0x77: {  	_ =	shalt  }
0x78: {  	_ =	shalt  }
0x79: {  	_ =	shalt  }
0x7a: {  	_ =	shalt  }
0x7b: {  	_ =	shalt  }
0x7c: {  	_ =	shalt  }
0x7d: {  	_ =	shalt  }
0x7e: {  	_ =	shalt  }
0x7f: {  	_ =	shalt  }
0x80: {  	_ =	shalt  }
0x81: {  	_ =	shalt  }
0x82: {  	_ =	shalt  }
0x83: {  	_ =	shalt  }
0x84: {  	_ =	shalt  }
0x85: {  	_ =	shalt  }
0x86: {  	_ =	shalt  }
0x87: {  	_ =	shalt  }
.Lfunc_end0:
.L_simem_size_0:
called_computation.1_lowered:
.L_overlay_start_0:
0x88: {  	s2 =	sld [smem:$0x3FD9]  }
0x89: {  	s3 =	sld [smem:$0x3FFE];
	_ =	sdelay $0x1  }
0x8a: {  	s1 =	srdreg.scid  }
0x8b: {  	s0 =	sand.u32 $0x1, s1  }
0x8c: {  	s17 =	sshll.u32 s0, $0xA;
	s2 =	sadd.s32 s3, s2  }
0x8d: {  	s2 =	sadd.s32 s2, s17  }
0x8e: {  	[smem:$0x3FC4] =	sst s2  }
0x8f: {  	_ = 	snop  }
0x90: {  	s2 =	sld [smem:$0x3FD0];
	(tm) =	ssettm $0x1  }
0x91: {  	s18 =	sld [smem:$0x3FFB];
	_ =	sdelay $0x3  }
0x92: {  	_ =	strace s18  }
0x93: {  	s3 =	sld [smem:$0x3FFC];
	_ =	sdelay $0x3  }
0x94: {  	_ =	strace s3  }
0x95: {  	s3 =	sld [smem:$0x3FFD];
	_ =	sdelay $0x3  }
0x96: {  	_ =	strace s3  }
0x97: {  	_ =	strace $0x8FFFFFFF  }
0x98: {  	s19 =	sld [smem:$0x3FDB];
	_ =	sdelay $0x1  }
0x99: {  	s4 =	simm.s32 $_scs_section_size  }
0x9a: {  	s5 =	simm.s32 $_size__tile_overlayer_lowered;
	s6 =	simm.s32 $_tile_overlayer_lowered  }
0x9b: {  	s22 =	simm.s32 $0x1BFF;
	s21 =	sshll.u32 s6, $0x1;
	s3 =	sadd.s32 s4, s19  }
0x9c: {  	s7 =	simm.s32 $0x0;
	s20 =	sshll.u32 s5, $0x1;
	s5 =	sadd.s32 s21, s3  }
0x9d: {  	[timem:s7], [sflag:s22] =	dma.local [hbm:s5], s20  }
0x9e: {  	_ =	swait.ge [sflag:s22], s20  }
0x9f: {  	s4 =	ssub.s32 $0x0, s20;
	[sflag:s22] =	ssyncset.done $0x0  }
0xa0: {  	[sflag:s22] =	ssyncadd.s32 s4;
	_ =	sdelay $0x1  }
0xa1: {  	s23 =	simm.s32 $0x1B8B  }
0xa2: {  	_ =	swait.ge [sflag:s23], $0x1  }
0xa3: {  	[sflag:s23] =	ssyncset.done $0x0  }
0xa4: {  	s25 =	simm.s32 $0x1B8E;
	s24 =	sld [smem:$0x3FFE];
	[sflag:s23] =	ssyncadd.s32 $0xFFFFFFFF  }
0xa5: {  	s26 =	simm.s32 $execute0_lowered;
	[smem:$0x3FD2] =	sst s25  }
0xa6: {  	s5 =	sshll.u32 s26, $0x1;
	_ =	strace $0x80000049;
	[dreg:$0x1] =	wrdreg $0xFFFFFFFF  }
0xa7: {  	s28 =	simm.s32 $_size_execute0_lowered;
	s3 =	sadd.s32 s3, s5;
	[dreg:$0x0] =	wrdreg $0x0  }
0xa8: {  	s5 =	sshll.u32 s28, $0x1;
	[dreg:$0x2] =	wrdreg s3  }
0xa9: {  	[dreg:$0x3] =	wrdreg s5  }
0xaa: {  	[dreg:$0x4] =	wrdreg $0xC0  }
0xab: {  	_ =	task [dreg:s7], $0x5FFFF  }
0xac: {  	[dreg:$0x1] =	wrdreg $0xFFFFFFFF  }
0xad: {  	[dreg:$0x0] =	wrdreg $0x60  }
0xae: {  	[dreg:$0x2] =	wrdreg s2  }
0xaf: {  	[dreg:$0x3] =	wrdreg s24  }
0xb0: {  	[dreg:$0x4] =	wrdreg $0x90000  }
0xb1: {  	[dreg:$0x5] =	wrdreg $0x9  }
0xb2: {  	_ =	task.clear_ibuf [dreg:s7], $0x6FFFF;
	_ =	strace $0x90000049  }
0xb3: {  	s29 =	simm.s32 $0x9;
	_ =	strace $0x8000004B  }
0xb4: {  	_ =	swait.ge [sflag:s29], $0x1  }
0xb5: {  	[sflag:s29] =	ssyncadd.s32 $0xFFFFFFFF  }
0xb6: {  	_ =	strace $0x9000004B  }
0xb7: {  	_ =	sfence  }
0xb8: {  	s30 =	sld [smem:$0x0];
	_ =	sdelay $0x2  }
0xb9: {  	s31 =	sshll.u32 s1, $0xD;
	s1 =	sshrl.u32 s1, $0x2  }
0xba: {  	s3 =	sand.u32 $0x4000, s31;
	s1 =	sadd.s32 s1, s30  }
0xbb: {  	s0 =	sor.u32 s3, s0;
	s1 =	sshll.u32 s1, $0x11  }
0xbc: {  	s0 =	sor.u32 s1, s0  }
0xbd: {  	s0 =	sadd.s32 $0x8F2B, s0  }
0xbe: {  	[sflag:s0] =	ssyncadd.remote.s32 $0x1  }
0xbf: {  	_ =	sfence.sel $0xFFFF  }
0xc0: {  	[dreg:$0x0] =	wrdreg $0xFFFFFFFF;
	(pc) =	sbr.abs _section_cstart, $3  }
0xc1: {  	[dreg:$0x1] =	wrdreg $0xFFFFFFFF  }
0xc2: {  	_ =	task.clear_ibuf [dreg:s7], $0x2FFFF;
	_ =	strace $0x9FFFFFFF  }
0xc3: {  	(tm) =	ssettm $0x7FFFFFFF  }
tec
execute0_lowered:
.L_overlay_start_1:
0x0: {  	(tag) =	ssettag $0x1  }
0x1: {  	s1 =	rddreg [dreg:$0x0]  }
0x2: {  	s0 =	rddreg [dreg:$0x1]  }
0x3: {  	s3 =	rddreg [dreg:$0x2];
	s4 =	simm.s32 $0x0;
	s9 =	stileid.u32  }
0x4: {  	s6 =	srdreg.scid;
	s17 =	simm.s32 $0x3;
	s18 =	simm.s32 $0x800  }
0x5: {  	s19 =	simm.s32 $0x80;
	s20 =	simm.s32 $0x1000;
	s15 =	simm.s32 $0x100  }
0x6: {  	s14 =	simm.s32 $0x180;
	s16 =	simm.s32 $0x900;
	s28 =	simm.s32 $0xA00  }
0x7: {  	s29 =	simm.s32 $0x300;
	s30 =	simm.s32 $0xA80;
	s31 =	simm.s32 $0x0  }
0x8: {  	[smem:$0x7FF] =	sst s4;
	s2 =	smul.u32 $0x500, s9;
	s5 =	sadd.s32 $0xB600, s0  }
0x9: {  	s6 =	sand.u32 $0x1, s6;
	s7 =	smul.u32 $0x50000, s9;
	s8 =	sadd.s32 $0x33600, s0  }
0xa: {  	s10 =	smul.u32 $0x2800, s9;
	s26 =	sshll.u32 s9, $0x6;
	s9 =	simm.s32 $0x400  }
0xb: {  	_ =	strace $0x8000004A;
	[dreg:$0x4] =	wrdreg s8;
	s21 =	ssub.s32 $0x2, s6  }
0xc: {  	p0 =	seq.s32 s6, $0x1;
	[dreg:$0xa] =	wrdreg s26;
	s8 =	simm.s32 $0x880  }
0xd: {  	s2 =	sadd.s32 s2, s0;
	s0 =	sadd.s32 $0x60600, s0;
	[dreg:$0x6] =	wrdreg s10  }
0xe: {  	s22 =	sshrl.u32 s21, $0x1;
	s24 =	sadd.s32 s1, s10;
	[dreg:$0x5] =	wrdreg s0  }
0xf: {  	s7 =	sshrl.u32 s7, $0x2;
	s25 =	sadd.s32 s5, s10;
	[dreg:$0x7] =	wrdreg s24  }
0x10: {  	s0 =	ssub.s32 s21, s22;
	s23 =	sadd.s32 s7, s3;
	[dreg:$0x8] =	wrdreg s25  }
0x11: {  	s12 =	sadd.s32 $0x6600, s2;
	s13 =	sadd.s32 $0x5B600, s2;
	s21 =	simm.s32 $0x5000  }
.Ltmp0:
0x12: {  	s22 =	simm.s32 $0x1;
	s24 =	simm.s32 $0x2;
	(pc) =	sbr.rel .LBB2_1-.Ltmp0, $4  }
0x13: {  	s25 =	simm.s32 $0x980;
	s2 =	simm.s32 $0xB00;
	s0 =	smax.u32 s0, $0x1  }
0x14: {  	s7 =	simm.s32 $0x500;
	s11 =	sshrl.u32 s23, $0x3;
	[dreg:$0x9] =	wrdreg s0  }
0x15: {  	s23 =	simm.s32 $0x200;
	s0 =	sor.u32 $0x1C03, s26;
	[dreg:$0xc] =	wrdreg s11  }
0x16: {  	s26 =	simm.s32 $0x280;
	[dreg:$0xb] =	wrdreg s0;
	s0 =	simm.s32 $0x380  }
.LBB2_7:
0x17: {  	s7 =	sadd.s32 s6, s13;
	[sflag:s17] =	ssyncadd.s32 $0xFFFFC000  }
0x18: {  	[tilespmem:s4], [sflag:$0x3] =	stream.linear.gather [hbm4b:s7+s4], $0x800, $0x38;
	[tilespmem:$0x1D000] =	vst v63  }
0x19: {  	_ =	swait.ge [sflag:s17], $0x800  }
0x1a: {  	[sflag:s17] =	ssyncset.done $0x0  }
0x1b: {  	s14 =	sadd.s32 s6, s12;
	[sflag:s17] =	ssyncadd.s32 $0xFFFFF800  }
0x1c: {  	[tilespmem:s18], [sflag:$0x3] =	stream.linear.gather [hbm4b:s14+s4], $0x800, $0x38;
	[tilespmem:$0x1D000] =	vst v63  }
0x1d: {  	_ =	swait.ge [sflag:s17], $0x800  }
0x1e: {  	[sflag:s17] =	ssyncset.done $0x0  }
0x1f: {  	[sflag:s17] =	ssyncadd.s32 $0xFFFFF800  }
0x20: {  	[tilespmem:s20], [sflag:$0x1] =	stream.indirect.gather [hbm4b:s5+s19], $0x80, s4, s19, $0xb8;
	[tilespmem:$0x1D000] =	vst v63  }
0x21: {  	_ = 	snop  }
0x22: {  	[tilespmem:s21], [sflag:$0x2] =	stream.indirect.gather [hbm4b:s5+s19], $0x80, s19, s19, $0xb8;
	[tilespmem:$0x1D000] =	vst v63  }
0x23: {  	_ =	swait.ge [sflag:s22], $0x4000  }
0x24: {  	[sflag:s22] =	ssyncset.done $0x0  }
0x25: {  	[sflag:s22] =	ssyncadd.s32 $0xFFFFC000  }
0x26: {  	[spmem:s3] =	stream.indirect.scatter.add.f32 [tilespmem:s20], [sflag:$0x3], $0x80, s18, s19, $0xb8;
	[tilespmem:$0x1D000] =	vst v63  }
0x27: {  	_ =	swait.ge [sflag:s17], $0x4000  }
0x28: {  	[sflag:s17] =	ssyncset.done $0x0  }
0x29: {  	[sflag:s17] =	ssyncadd.s32 $0xFFFFC000  }
0x2a: {  	[tilespmem:s20], [sflag:$0x1] =	stream.indirect.gather [hbm4b:s5+s19], $0x80, s15, s19, $0xb8;
	[tilespmem:$0x1D000] =	vst v63  }
0x2b: {  	_ =	swait.ge [sflag:s24], $0x4000  }
0x2c: {  	[sflag:s24] =	ssyncset.done $0x0  }
0x2d: {  	[sflag:s24] =	ssyncadd.s32 $0xFFFFC000  }
0x2e: {  	[spmem:s3] =	stream.indirect.scatter.add.f32 [tilespmem:s21], [sflag:$0x3], $0x80, s8, s19, $0xb8;
	[tilespmem:$0x1D000] =	vst v63  }
0x2f: {  	_ =	swait.ge [sflag:s17], $0x4000  }
0x30: {  	[sflag:s17] =	ssyncset.done $0x0  }
0x31: {  	[sflag:s17] =	ssyncadd.s32 $0xFFFFC000  }
0x32: {  	[tilespmem:s21], [sflag:$0x2] =	stream.indirect.gather [hbm4b:s5+s19], $0x80, s16, s19, $0xb8;
	[tilespmem:$0x1D000] =	vst v63  }
0x33: {  	_ =	swait.ge [sflag:s22], $0x4000  }
0x34: {  	[sflag:s22] =	ssyncset.done $0x0  }
0x35: {  	[sflag:s22] =	ssyncadd.s32 $0xFFFFC000  }
0x36: {  	[spmem:s3] =	stream.indirect.scatter.add.f32 [tilespmem:s20], [sflag:$0x3], $0x80, s23, s19, $0xb8;
	[tilespmem:$0x1D000] =	vst v63  }
0x37: {  	_ =	swait.ge [sflag:s17], $0x4000  }
0x38: {  	[sflag:s17] =	ssyncset.done $0x0  }
0x39: {  	[sflag:s17] =	ssyncadd.s32 $0xFFFFC000  }
0x3a: {  	[tilespmem:s20], [sflag:$0x1] =	stream.indirect.gather [hbm4b:s5+s19], $0x80, s25, s19, $0xb8;
	[tilespmem:$0x1D000] =	vst v63  }
0x3b: {  	_ =	swait.ge [sflag:s24], $0x4000  }
0x3c: {  	[sflag:s24] =	ssyncset.done $0x0  }
0x3d: {  	[sflag:s24] =	ssyncadd.s32 $0xFFFFC000  }
0x3e: {  	[spmem:s3] =	stream.indirect.scatter.add.f32 [tilespmem:s21], [sflag:$0x3], $0x80, s26, s19, $0xb8;
	[tilespmem:$0x1D000] =	vst v63  }
0x3f: {  	_ =	swait.ge [sflag:s17], $0x4000  }
0x40: {  	[sflag:s17] =	ssyncset.done $0x0  }
0x41: {  	[sflag:s17] =	ssyncadd.s32 $0xFFFFC000  }
0x42: {  	[tilespmem:s21], [sflag:$0x2] =	stream.indirect.gather [hbm4b:s5+s19], $0x80, s28, s19, $0xb8;
	[tilespmem:$0x1D000] =	vst v63  }
0x43: {  	_ =	swait.ge [sflag:s22], $0x4000  }
0x44: {  	[sflag:s22] =	ssyncset.done $0x0  }
0x45: {  	[sflag:s22] =	ssyncadd.s32 $0xFFFFC000  }
0x46: {  	[spmem:s3] =	stream.indirect.scatter.add.f32 [tilespmem:s20], [sflag:$0x3], $0x80, s29, s19, $0xb8;
	[tilespmem:$0x1D000] =	vst v63  }
0x47: {  	_ =	swait.ge [sflag:s17], $0x4000  }
0x48: {  	[sflag:s17] =	ssyncset.done $0x0  }
0x49: {  	[sflag:s17] =	ssyncadd.s32 $0xFFFFC000  }
0x4a: {  	[tilespmem:s20], [sflag:$0x1] =	stream.indirect.gather [hbm4b:s5+s19], $0x80, s30, s19, $0xb8;
	[tilespmem:$0x1D000] =	vst v63  }
0x4b: {  	_ =	swait.ge [sflag:s24], $0x4000  }
0x4c: {  	[sflag:s24] =	ssyncset.done $0x0  }
0x4d: {  	[sflag:s24] =	ssyncadd.s32 $0xFFFFC000  }
0x4e: {  	[spmem:s3] =	stream.indirect.scatter.add.f32 [tilespmem:s21], [sflag:$0x3], $0x80, s31, s19, $0xb8;
	[tilespmem:$0x1D000] =	vst v63  }
0x4f: {  	_ =	swait.ge [sflag:s17], $0x4000  }
0x50: {  	[sflag:s17] =	ssyncset.done $0x0  }
0x51: {  	[sflag:s17] =	ssyncadd.s32 $0xFFFFC000  }
0x52: {  	[tilespmem:s21], [sflag:$0x2] =	stream.indirect.gather [hbm4b:s5+s19], $0x80, s0, s19, $0xb8;
	[tilespmem:$0x1D000] =	vst v63  }
0x53: {  	_ =	swait.ge [sflag:s22], $0x4000  }
0x54: {  	[sflag:s22] =	ssyncset.done $0x0  }
0x55: {  	[sflag:s22] =	ssyncadd.s32 $0xFFFFC000  }
0x56: {  	[spmem:s3] =	stream.indirect.scatter.add.f32 [tilespmem:s20], [sflag:$0x3], $0x80, s2, s19, $0xb8;
	[tilespmem:$0x1D000] =	vst v63  }
0x57: {  	_ =	swait.ge [sflag:s17], $0x4000  }
0x58: {  	[sflag:s17] =	ssyncset.done $0x0  }
0x59: {  	[sflag:s17] =	ssyncadd.s32 $0xFFFFC000  }
0x5a: {  	[tilespmem:s20], [sflag:$0x1] =	stream.indirect.gather [hbm4b:s5+s19], $0x80, s9, s19, $0xb8;
	[tilespmem:$0x1D000] =	vst v63  }
0x5b: {  	_ =	swait.ge [sflag:s24], $0x4000  }
0x5c: {  	[sflag:s24] =	ssyncset.done $0x0  }
0x5d: {  	[sflag:s24] =	ssyncadd.s32 $0xFFFFC000  }
0x5e: {  	[spmem:s3] =	stream.indirect.scatter.add.f32 [tilespmem:s21], [sflag:$0x3], $0x80, s10, s19, $0xb8;
	[tilespmem:$0x1D000] =	vst v63  }
0x5f: {  	_ =	swait.ge [sflag:s17], $0x4000  }
0x60: {  	[sflag:s17] =	ssyncset.done $0x0  }
0x61: {  	s25 =	simm.s32 $0x480;
	[sflag:s17] =	ssyncadd.s32 $0xFFFFC000  }
0x62: {  	[tilespmem:s21], [sflag:$0x2] =	stream.indirect.gather [hbm4b:s5+s19], $0x80, s25, s19, $0xb8;
	[tilespmem:$0x1D000] =	vst v63  }
0x63: {  	_ =	swait.ge [sflag:s22], $0x4000  }
0x64: {  	[sflag:s22] =	ssyncset.done $0x0  }
0x65: {  	[sflag:s22] =	ssyncadd.s32 $0xFFFFC000  }
0x66: {  	[spmem:s3] =	stream.indirect.scatter.add.f32 [tilespmem:s20], [sflag:$0x3], $0x80, s11, s19, $0xb8;
	[tilespmem:$0x1D000] =	vst v63  }
0x67: {  	_ =	swait.ge [sflag:s17], $0x4000  }
0x68: {  	[sflag:s17] =	ssyncset.done $0x0  }
0x69: {  	s26 =	simm.s32 $0x500;
	[sflag:s17] =	ssyncadd.s32 $0xFFFFC000  }
0x6a: {  	[tilespmem:s20], [sflag:$0x1] =	stream.indirect.gather [hbm4b:s5+s19], $0x80, s26, s19, $0xb8;
	[tilespmem:$0x1D000] =	vst v63  }
0x6b: {  	_ =	swait.ge [sflag:s24], $0x4000  }
0x6c: {  	[sflag:s24] =	ssyncset.done $0x0  }
0x6d: {  	s2 =	simm.s32 $0xC80;
	[sflag:s24] =	ssyncadd.s32 $0xFFFFC000  }
0x6e: {  	[spmem:s3] =	stream.indirect.scatter.add.f32 [tilespmem:s21], [sflag:$0x3], $0x80, s2, s19, $0xb8;
	[tilespmem:$0x1D000] =	vst v63  }
0x6f: {  	_ =	swait.ge [sflag:s17], $0x4000  }
0x70: {  	[sflag:s17] =	ssyncset.done $0x0  }
0x71: {  	s6 =	simm.s32 $0x580;
	[sflag:s17] =	ssyncadd.s32 $0xFFFFC000  }
0x72: {  	[tilespmem:s21], [sflag:$0x2] =	stream.indirect.gather [hbm4b:s5+s19], $0x80, s6, s19, $0xb8;
	[tilespmem:$0x1D000] =	vst v63  }
0x73: {  	_ =	swait.ge [sflag:s22], $0x4000  }
0x74: {  	[sflag:s22] =	ssyncset.done $0x0  }
0x75: {  	s7 =	simm.s32 $0xD00;
	[sflag:s22] =	ssyncadd.s32 $0xFFFFC000  }
0x76: {  	[spmem:s3] =	stream.indirect.scatter.add.f32 [tilespmem:s20], [sflag:$0x3], $0x80, s7, s19, $0xb8;
	[tilespmem:$0x1D000] =	vst v63  }
0x77: {  	_ =	swait.ge [sflag:s17], $0x4000  }
0x78: {  	[sflag:s17] =	ssyncset.done $0x0  }
0x79: {  	s8 =	simm.s32 $0x600;
	[sflag:s17] =	ssyncadd.s32 $0xFFFFC000  }
0x7a: {  	[tilespmem:s20], [sflag:$0x1] =	stream.indirect.gather [hbm4b:s5+s19], $0x80, s8, s19, $0xb8;
	[tilespmem:$0x1D000] =	vst v63  }
0x7b: {  	_ =	swait.ge [sflag:s24], $0x4000  }
0x7c: {  	[sflag:s24] =	ssyncset.done $0x0  }
0x7d: {  	s9 =	simm.s32 $0xD80;
	[sflag:s24] =	ssyncadd.s32 $0xFFFFC000  }
0x7e: {  	[spmem:s3] =	stream.indirect.scatter.add.f32 [tilespmem:s21], [sflag:$0x3], $0x80, s9, s19, $0xb8;
	[tilespmem:$0x1D000] =	vst v63  }
0x7f: {  	_ =	swait.ge [sflag:s17], $0x4000  }
0x80: {  	[sflag:s17] =	ssyncset.done $0x0  }
0x81: {  	s10 =	simm.s32 $0x680;
	[sflag:s17] =	ssyncadd.s32 $0xFFFFC000  }
0x82: {  	[tilespmem:s21], [sflag:$0x2] =	stream.indirect.gather [hbm4b:s5+s19], $0x80, s10, s19, $0xb8;
	[tilespmem:$0x1D000] =	vst v63  }
0x83: {  	_ =	swait.ge [sflag:s22], $0x4000  }
0x84: {  	[sflag:s22] =	ssyncset.done $0x0  }
0x85: {  	s11 =	simm.s32 $0xE00;
	[sflag:s22] =	ssyncadd.s32 $0xFFFFC000  }
0x86: {  	[spmem:s3] =	stream.indirect.scatter.add.f32 [tilespmem:s20], [sflag:$0x3], $0x80, s11, s19, $0xb8;
	[tilespmem:$0x1D000] =	vst v63  }
0x87: {  	_ =	swait.ge [sflag:s17], $0x4000  }
0x88: {  	[sflag:s17] =	ssyncset.done $0x0  }
0x89: {  	s14 =	simm.s32 $0x700;
	[sflag:s17] =	ssyncadd.s32 $0xFFFFC000  }
0x8a: {  	[tilespmem:s20], [sflag:$0x1] =	stream.indirect.gather [hbm4b:s5+s19], $0x80, s14, s19, $0xb8;
	[tilespmem:$0x1D000] =	vst v63  }
0x8b: {  	_ =	swait.ge [sflag:s24], $0x4000  }
0x8c: {  	[sflag:s24] =	ssyncset.done $0x0  }
0x8d: {  	s16 =	simm.s32 $0xE80;
	[sflag:s24] =	ssyncadd.s32 $0xFFFFC000  }
0x8e: {  	[spmem:s3] =	stream.indirect.scatter.add.f32 [tilespmem:s21], [sflag:$0x3], $0x80, s16, s19, $0xb8;
	[tilespmem:$0x1D000] =	vst v63  }
0x8f: {  	_ =	swait.ge [sflag:s17], $0x4000  }
0x90: {  	[sflag:s17] =	ssyncset.done $0x0  }
0x91: {  	s23 =	simm.s32 $0x780;
	[sflag:s17] =	ssyncadd.s32 $0xFFFFC000  }
0x92: {  	[tilespmem:s21], [sflag:$0x2] =	stream.indirect.gather [hbm4b:s5+s19], $0x80, s23, s19, $0xb8;
	[tilespmem:$0x1D000] =	vst v63  }
0x93: {  	_ =	swait.ge [sflag:s22], $0x4000  }
0x94: {  	[sflag:s22] =	ssyncset.done $0x0  }
0x95: {  	s25 =	simm.s32 $0xF00;
	[sflag:s22] =	ssyncadd.s32 $0xFFFFC000  }
0x96: {  	[spmem:s3] =	stream.indirect.scatter.add.f32 [tilespmem:s20], [sflag:$0x3], $0x80, s25, s19, $0xb8;
	[tilespmem:$0x1D000] =	vst v63  }
0x97: {  	_ =	swait.ge [sflag:s17], $0x4000  }
0x98: {  	[sflag:s17] =	ssyncset.done $0x0  }
0x99: {  	s28 =	simm.s32 $0xA00;
	[sflag:s17] =	ssyncadd.s32 $0xFFFFC000  }
0x9a: {  	s29 =	simm.s32 $0x300;
	s30 =	simm.s32 $0xA80;
	_ =	swait.ge [sflag:s24], $0x4000  }
0x9b: {  	s0 =	simm.s32 $0x380;
	s26 =	simm.s32 $0xF80;
	[sflag:s24] =	ssyncset.done $0x0  }
0x9c: {  	s2 =	simm.s32 $0xB00;
	s8 =	simm.s32 $0x880;
	[sflag:s24] =	ssyncadd.s32 $0xFFFFC000  }
0x9d: {  	[spmem:s3] =	stream.indirect.scatter.add.f32 [tilespmem:s21], [sflag:$0x3], $0x80, s26, s19, $0xb8;
	[tilespmem:$0x1D000] =	vst v63  }
0x9e: {  	s9 =	simm.s32 $0x400;
	s14 =	simm.s32 $0x180;
	_ =	swait.ge [sflag:s17], $0x4000  }
0x9f: {  	s16 =	simm.s32 $0x900;
	s23 =	simm.s32 $0x200;
	s6 =	rddreg [dreg:$0x5]  }
0xa0: {  	s25 =	simm.s32 $0x980;
	[sflag:s17] =	ssyncset.done $0x0;
	s10 =	rddreg [dreg:$0xb]  }
0xa1: {  	s26 =	simm.s32 $0x280;
	s31 =	rddreg [dreg:$0xd];
	[sflag:s17] =	ssyncadd.s32 $0xFFFFC000  }
.LBB2_8:
0xa2: {  	s7 =	rddreg [dreg:$0x6];
	[bflag:$0x0] =	sbarrier.arrive $0xFFFF  }
0xa3: {  	s6 =	sadd.s32 s6, s7;
	s11 =	rddreg [dreg:$0xc]  }
0xa4: {  	[hbm:s6], [sflag:s10] =	dma.local [spmem:s11], $0x2800  }
0xa5: {  	_ =	swait.ge [sflag:s17], $0x2800  }
0xa6: {  	s31 =	sadd.s32 $0x1, s31;
	s10 =	rddreg [dreg:$0x9]  }
0xa7: {  	p1 =	sne.s32 s31, s10  }
.Ltmp1:
0xa8: {  	_ = 	snop;
	(pc) =	sbr.rel @!p1 .LBB2_9-.Ltmp1, $3  }
0xa9: {  	_ =	sdelay $0x1  }
0xaa: {  	[sflag:s17] =	ssyncset.done $0x0  }
0xab: {  	s7 =	simm.s32 $0x500;
	[sflag:s17] =	ssyncadd.s32 $0xFFFFD800  }
.LBB2_1:
.Ltmp2:
0xac: {  	(pc) =	sbr.rel @!p0 .LBB2_2-.Ltmp2, $2  }
0xad: {  	_ =	sdelay $0x2  }
0xae: {  	[dreg:$0xd] =	wrdreg s31  }
0xaf: {  	s6 =	rddreg [dreg:$0x8]  }
0xb0: {  	s7 =	rddreg [dreg:$0xb]  }
0xb1: {  	[spmem:s11], [sflag:s7] =	dma.local [hbm:s6], $0x2800  }
0xb2: {  	_ =	swait.ge [sflag:s17], $0x2800  }
0xb3: {  	[sflag:s17] =	ssyncset.done $0x0  }
0xb4: {  	[sflag:s17] =	ssyncadd.s32 $0xFFFFD800  }
0xb5: {  	s7 =	sadd.s32 $0x0, s13;
	[bflag:$0x0] =	sbarrier.arrive $0xFFFF  }
0xb6: {  	[tilespmem:s4], [sflag:$0x3] =	stream.linear.gather [hbm4b:s7+s4], $0x800, $0x38;
	[tilespmem:$0x1D000] =	vst v63  }
0xb7: {  	_ =	swait.ge [sflag:s17], $0x800  }
0xb8: {  	[sflag:s17] =	ssyncset.done $0x0  }
0xb9: {  	s11 =	sadd.s32 $0x0, s12;
	[sflag:s17] =	ssyncadd.s32 $0xFFFFF800  }
0xba: {  	[tilespmem:s18], [sflag:$0x3] =	stream.linear.gather [hbm4b:s11+s4], $0x800, $0x38;
	[tilespmem:$0x1D000] =	vst v63  }
0xbb: {  	_ =	swait.ge [sflag:s17], $0x800  }
0xbc: {  	[sflag:s17] =	ssyncset.done $0x0  }
0xbd: {  	[sflag:s17] =	ssyncadd.s32 $0xFFFFF800  }
0xbe: {  	[tilespmem:s20], [sflag:$0x1] =	stream.indirect.gather [hbm4b:s5+s19], $0x80, s4, s19, $0xb8;
	[tilespmem:$0x1D000] =	vst v63  }
0xbf: {  	_ = 	snop  }
0xc0: {  	[tilespmem:s21], [sflag:$0x2] =	stream.indirect.gather [hbm4b:s5+s19], $0x80, s19, s19, $0xb8;
	[tilespmem:$0x1D000] =	vst v63  }
0xc1: {  	_ =	swait.ge [sflag:s22], $0x4000  }
0xc2: {  	[sflag:s22] =	ssyncset.done $0x0  }
0xc3: {  	[sflag:s22] =	ssyncadd.s32 $0xFFFFC000  }
0xc4: {  	[spmem:s3] =	stream.indirect.scatter.add.f32 [tilespmem:s20], [sflag:$0x3], $0x80, s18, s19, $0xb8;
	[tilespmem:$0x1D000] =	vst v63  }
0xc5: {  	_ =	swait.ge [sflag:s17], $0x4000  }
0xc6: {  	[sflag:s17] =	ssyncset.done $0x0  }
0xc7: {  	[sflag:s17] =	ssyncadd.s32 $0xFFFFC000  }
0xc8: {  	[tilespmem:s20], [sflag:$0x1] =	stream.indirect.gather [hbm4b:s5+s19], $0x80, s15, s19, $0xb8;
	[tilespmem:$0x1D000] =	vst v63  }
0xc9: {  	_ =	swait.ge [sflag:s24], $0x4000  }
0xca: {  	[sflag:s24] =	ssyncset.done $0x0  }
0xcb: {  	[sflag:s24] =	ssyncadd.s32 $0xFFFFC000  }
0xcc: {  	[spmem:s3] =	stream.indirect.scatter.add.f32 [tilespmem:s21], [sflag:$0x3], $0x80, s8, s19, $0xb8;
	[tilespmem:$0x1D000] =	vst v63  }
0xcd: {  	_ =	swait.ge [sflag:s17], $0x4000  }
0xce: {  	[sflag:s17] =	ssyncset.done $0x0  }
0xcf: {  	[sflag:s17] =	ssyncadd.s32 $0xFFFFC000  }
0xd0: {  	[tilespmem:s21], [sflag:$0x2] =	stream.indirect.gather [hbm4b:s5+s19], $0x80, s14, s19, $0xb8;
	[tilespmem:$0x1D000] =	vst v63  }
0xd1: {  	_ =	swait.ge [sflag:s22], $0x4000  }
0xd2: {  	[sflag:s22] =	ssyncset.done $0x0  }
0xd3: {  	[sflag:s22] =	ssyncadd.s32 $0xFFFFC000  }
0xd4: {  	[spmem:s3] =	stream.indirect.scatter.add.f32 [tilespmem:s20], [sflag:$0x3], $0x80, s16, s19, $0xb8;
	[tilespmem:$0x1D000] =	vst v63  }
0xd5: {  	_ =	swait.ge [sflag:s17], $0x4000  }
0xd6: {  	[sflag:s17] =	ssyncset.done $0x0  }
0xd7: {  	[sflag:s17] =	ssyncadd.s32 $0xFFFFC000  }
0xd8: {  	[tilespmem:s20], [sflag:$0x1] =	stream.indirect.gather [hbm4b:s5+s19], $0x80, s23, s19, $0xb8;
	[tilespmem:$0x1D000] =	vst v63  }
0xd9: {  	_ =	swait.ge [sflag:s24], $0x4000  }
0xda: {  	[sflag:s24] =	ssyncset.done $0x0  }
0xdb: {  	[sflag:s24] =	ssyncadd.s32 $0xFFFFC000  }
0xdc: {  	[spmem:s3] =	stream.indirect.scatter.add.f32 [tilespmem:s21], [sflag:$0x3], $0x80, s25, s19, $0xb8;
	[tilespmem:$0x1D000] =	vst v63  }
0xdd: {  	_ =	swait.ge [sflag:s17], $0x4000  }
0xde: {  	[sflag:s17] =	ssyncset.done $0x0  }
0xdf: {  	[sflag:s17] =	ssyncadd.s32 $0xFFFFC000  }
0xe0: {  	[tilespmem:s21], [sflag:$0x2] =	stream.indirect.gather [hbm4b:s5+s19], $0x80, s26, s19, $0xb8;
	[tilespmem:$0x1D000] =	vst v63  }
0xe1: {  	_ =	swait.ge [sflag:s22], $0x4000  }
0xe2: {  	[sflag:s22] =	ssyncset.done $0x0  }
0xe3: {  	[sflag:s22] =	ssyncadd.s32 $0xFFFFC000  }
0xe4: {  	[spmem:s3] =	stream.indirect.scatter.add.f32 [tilespmem:s20], [sflag:$0x3], $0x80, s28, s19, $0xb8;
	[tilespmem:$0x1D000] =	vst v63  }
0xe5: {  	_ =	swait.ge [sflag:s17], $0x4000  }
0xe6: {  	[sflag:s17] =	ssyncset.done $0x0  }
0xe7: {  	[sflag:s17] =	ssyncadd.s32 $0xFFFFC000  }
0xe8: {  	[tilespmem:s20], [sflag:$0x1] =	stream.indirect.gather [hbm4b:s5+s19], $0x80, s29, s19, $0xb8;
	[tilespmem:$0x1D000] =	vst v63  }
0xe9: {  	_ =	swait.ge [sflag:s24], $0x4000  }
0xea: {  	[sflag:s24] =	ssyncset.done $0x0  }
0xeb: {  	[sflag:s24] =	ssyncadd.s32 $0xFFFFC000  }
0xec: {  	[spmem:s3] =	stream.indirect.scatter.add.f32 [tilespmem:s21], [sflag:$0x3], $0x80, s30, s19, $0xb8;
	[tilespmem:$0x1D000] =	vst v63  }
0xed: {  	_ =	swait.ge [sflag:s17], $0x4000  }
0xee: {  	[sflag:s17] =	ssyncset.done $0x0  }
0xef: {  	[sflag:s17] =	ssyncadd.s32 $0xFFFFC000  }
0xf0: {  	[tilespmem:s21], [sflag:$0x2] =	stream.indirect.gather [hbm4b:s5+s19], $0x80, s0, s19, $0xb8;
	[tilespmem:$0x1D000] =	vst v63  }
0xf1: {  	_ =	swait.ge [sflag:s22], $0x4000  }
0xf2: {  	[sflag:s22] =	ssyncset.done $0x0  }
0xf3: {  	[sflag:s22] =	ssyncadd.s32 $0xFFFFC000  }
0xf4: {  	[spmem:s3] =	stream.indirect.scatter.add.f32 [tilespmem:s20], [sflag:$0x3], $0x80, s2, s19, $0xb8;
	[tilespmem:$0x1D000] =	vst v63  }
0xf5: {  	_ =	swait.ge [sflag:s17], $0x4000  }
0xf6: {  	[sflag:s17] =	ssyncset.done $0x0  }
0xf7: {  	[sflag:s17] =	ssyncadd.s32 $0xFFFFC000  }
0xf8: {  	[tilespmem:s20], [sflag:$0x1] =	stream.indirect.gather [hbm4b:s5+s19], $0x80, s9, s19, $0xb8;
	[tilespmem:$0x1D000] =	vst v63  }
0xf9: {  	_ =	swait.ge [sflag:s24], $0x4000  }
0xfa: {  	[sflag:s24] =	ssyncset.done $0x0  }
0xfb: {  	s25 =	simm.s32 $0xB80;
	[sflag:s24] =	ssyncadd.s32 $0xFFFFC000  }
0xfc: {  	[spmem:s3] =	stream.indirect.scatter.add.f32 [tilespmem:s21], [sflag:$0x3], $0x80, s25, s19, $0xb8;
	[tilespmem:$0x1D000] =	vst v63  }
0xfd: {  	_ =	swait.ge [sflag:s17], $0x4000  }
0xfe: {  	[sflag:s17] =	ssyncset.done $0x0  }
0xff: {  	s26 =	simm.s32 $0x480;
	[sflag:s17] =	ssyncadd.s32 $0xFFFFC000  }
0x100: {  	[tilespmem:s21], [sflag:$0x2] =	stream.indirect.gather [hbm4b:s5+s19], $0x80, s26, s19, $0xb8;
	[tilespmem:$0x1D000] =	vst v63  }
0x101: {  	_ =	swait.ge [sflag:s22], $0x4000  }
0x102: {  	[sflag:s22] =	ssyncset.done $0x0  }
0x103: {  	s2 =	simm.s32 $0xC00;
	[sflag:s22] =	ssyncadd.s32 $0xFFFFC000  }
0x104: {  	[spmem:s3] =	stream.indirect.scatter.add.f32 [tilespmem:s20], [sflag:$0x3], $0x80, s2, s19, $0xb8;
	[tilespmem:$0x1D000] =	vst v63  }
0x105: {  	_ =	swait.ge [sflag:s17], $0x4000  }
0x106: {  	[sflag:s17] =	ssyncset.done $0x0  }
0x107: {  	s10 =	simm.s32 $0x500;
	[sflag:s17] =	ssyncadd.s32 $0xFFFFC000  }
0x108: {  	[tilespmem:s20], [sflag:$0x1] =	stream.indirect.gather [hbm4b:s5+s19], $0x80, s10, s19, $0xb8;
	[tilespmem:$0x1D000] =	vst v63  }
0x109: {  	_ =	swait.ge [sflag:s24], $0x4000  }
0x10a: {  	[sflag:s24] =	ssyncset.done $0x0  }
0x10b: {  	s6 =	simm.s32 $0xC80;
	[sflag:s24] =	ssyncadd.s32 $0xFFFFC000  }
0x10c: {  	[spmem:s3] =	stream.indirect.scatter.add.f32 [tilespmem:s21], [sflag:$0x3], $0x80, s6, s19, $0xb8;
	[tilespmem:$0x1D000] =	vst v63  }
0x10d: {  	_ =	swait.ge [sflag:s17], $0x4000  }
0x10e: {  	[sflag:s17] =	ssyncset.done $0x0  }
0x10f: {  	s7 =	simm.s32 $0x580;
	[sflag:s17] =	ssyncadd.s32 $0xFFFFC000  }
0x110: {  	[tilespmem:s21], [sflag:$0x2] =	stream.indirect.gather [hbm4b:s5+s19], $0x80, s7, s19, $0xb8;
	[tilespmem:$0x1D000] =	vst v63  }
0x111: {  	_ =	swait.ge [sflag:s22], $0x4000  }
0x112: {  	[sflag:s22] =	ssyncset.done $0x0  }
0x113: {  	s8 =	simm.s32 $0xD00;
	[sflag:s22] =	ssyncadd.s32 $0xFFFFC000  }
0x114: {  	[spmem:s3] =	stream.indirect.scatter.add.f32 [tilespmem:s20], [sflag:$0x3], $0x80, s8, s19, $0xb8;
	[tilespmem:$0x1D000] =	vst v63  }
0x115: {  	_ =	swait.ge [sflag:s17], $0x4000  }
0x116: {  	[sflag:s17] =	ssyncset.done $0x0  }
0x117: {  	s9 =	simm.s32 $0x600;
	[sflag:s17] =	ssyncadd.s32 $0xFFFFC000  }
0x118: {  	[tilespmem:s20], [sflag:$0x1] =	stream.indirect.gather [hbm4b:s5+s19], $0x80, s9, s19, $0xb8;
	[tilespmem:$0x1D000] =	vst v63  }
0x119: {  	_ =	swait.ge [sflag:s24], $0x4000  }
0x11a: {  	[sflag:s24] =	ssyncset.done $0x0  }
0x11b: {  	s10 =	simm.s32 $0xD80;
	[sflag:s24] =	ssyncadd.s32 $0xFFFFC000  }
0x11c: {  	[spmem:s3] =	stream.indirect.scatter.add.f32 [tilespmem:s21], [sflag:$0x3], $0x80, s10, s19, $0xb8;
	[tilespmem:$0x1D000] =	vst v63  }
0x11d: {  	_ =	swait.ge [sflag:s17], $0x4000  }
0x11e: {  	[sflag:s17] =	ssyncset.done $0x0  }
0x11f: {  	s11 =	simm.s32 $0x680;
	[sflag:s17] =	ssyncadd.s32 $0xFFFFC000  }
0x120: {  	[tilespmem:s21], [sflag:$0x2] =	stream.indirect.gather [hbm4b:s5+s19], $0x80, s11, s19, $0xb8;
	[tilespmem:$0x1D000] =	vst v63  }
0x121: {  	_ =	swait.ge [sflag:s22], $0x4000  }
0x122: {  	[sflag:s22] =	ssyncset.done $0x0  }
0x123: {  	s14 =	simm.s32 $0xE00;
	[sflag:s22] =	ssyncadd.s32 $0xFFFFC000  }
0x124: {  	[spmem:s3] =	stream.indirect.scatter.add.f32 [tilespmem:s20], [sflag:$0x3], $0x80, s14, s19, $0xb8;
	[tilespmem:$0x1D000] =	vst v63  }
0x125: {  	_ =	swait.ge [sflag:s17], $0x4000  }
0x126: {  	[sflag:s17] =	ssyncset.done $0x0  }
0x127: {  	s15 =	simm.s32 $0x700;
	[sflag:s17] =	ssyncadd.s32 $0xFFFFC000  }
0x128: {  	[tilespmem:s20], [sflag:$0x1] =	stream.indirect.gather [hbm4b:s5+s19], $0x80, s15, s19, $0xb8;
	[tilespmem:$0x1D000] =	vst v63  }
0x129: {  	_ =	swait.ge [sflag:s24], $0x4000  }
0x12a: {  	[sflag:s24] =	ssyncset.done $0x0  }
0x12b: {  	s16 =	simm.s32 $0xE80;
	[sflag:s24] =	ssyncadd.s32 $0xFFFFC000  }
0x12c: {  	[spmem:s3] =	stream.indirect.scatter.add.f32 [tilespmem:s21], [sflag:$0x3], $0x80, s16, s19, $0xb8;
	[tilespmem:$0x1D000] =	vst v63  }
0x12d: {  	_ =	swait.ge [sflag:s17], $0x4000  }
0x12e: {  	[sflag:s17] =	ssyncset.done $0x0  }
0x12f: {  	s23 =	simm.s32 $0x780;
	[sflag:s17] =	ssyncadd.s32 $0xFFFFC000  }
0x130: {  	[tilespmem:s21], [sflag:$0x2] =	stream.indirect.gather [hbm4b:s5+s19], $0x80, s23, s19, $0xb8;
	[tilespmem:$0x1D000] =	vst v63  }
0x131: {  	_ =	swait.ge [sflag:s22], $0x4000  }
0x132: {  	[sflag:s22] =	ssyncset.done $0x0  }
0x133: {  	s25 =	simm.s32 $0xF00;
	[sflag:s22] =	ssyncadd.s32 $0xFFFFC000  }
0x134: {  	[spmem:s3] =	stream.indirect.scatter.add.f32 [tilespmem:s20], [sflag:$0x3], $0x80, s25, s19, $0xb8;
	[tilespmem:$0x1D000] =	vst v63  }
0x135: {  	s31 =	simm.s32 $0xA80;
	s28 =	simm.s32 $0x280;
	_ =	swait.ge [sflag:s17], $0x4000  }
0x136: {  	s29 =	simm.s32 $0xA00;
	s30 =	simm.s32 $0x300;
	[sflag:s17] =	ssyncset.done $0x0  }
0x137: {  	s0 =	simm.s32 $0x380;
	s26 =	simm.s32 $0xF80;
	[sflag:s17] =	ssyncadd.s32 $0xFFFFC000  }
0x138: {  	s2 =	simm.s32 $0xB00;
	s6 =	simm.s32 $0x100;
	_ =	swait.ge [sflag:s24], $0x4000  }
0x139: {  	s8 =	simm.s32 $0x880;
	s9 =	simm.s32 $0x400;
	[sflag:s24] =	ssyncset.done $0x0  }
0x13a: {  	s10 =	simm.s32 $0xB80;
	s14 =	simm.s32 $0x200;
	[sflag:s24] =	ssyncadd.s32 $0xFFFFC000  }
0x13b: {  	[spmem:s3] =	stream.indirect.scatter.add.f32 [tilespmem:s21], [sflag:$0x3], $0x80, s26, s19, $0xb8;
	[tilespmem:$0x1D000] =	vst v63  }
0x13c: {  	s16 =	simm.s32 $0x180;
	s23 =	simm.s32 $0x900;
	_ =	swait.ge [sflag:s17], $0x4000  }
0x13d: {  	s25 =	simm.s32 $0x200;
	s26 =	simm.s32 $0x980;
	[sflag:s17] =	ssyncset.done $0x0  }
.LBB2_6:
0x13e: {  	s11 =	sadd.s32 s6, s13  }
0x13f: {  	[sflag:s17] =	ssyncadd.s32 $0xFFFFC000;
	s15 =	smov.u32 s14;
	s7 =	sadd.s32 $0x100, s14  }
0x140: {  	[tilespmem:s4], [sflag:$0x3] =	stream.linear.gather [hbm4b:s11+s4], $0x800, $0x38;
	[tilespmem:$0x1D000] =	vst v63  }
0x141: {  	p1 =	sne.s32 s14, $0x400;
	_ =	swait.ge [sflag:s17], $0x800  }
0x142: {  	s11 =	sadd.s32 s6, s12;
	[sflag:s17] =	ssyncset.done $0x0  }
0x143: {  	s6 =	smov.u32 s15;
	s15 =	simm.s32 $0x100;
	[sflag:s17] =	ssyncadd.s32 $0xFFFFF800  }
0x144: {  	[tilespmem:s18], [sflag:$0x3] =	stream.linear.gather [hbm4b:s11+s4], $0x800, $0x38;
	[tilespmem:$0x1D000] =	vst v63  }
0x145: {  	s11 =	simm.s32 $0xC00  }
0x146: {  	_ =	swait.ge [sflag:s17], $0x800  }
0x147: {  	[sflag:s17] =	ssyncset.done $0x0  }
0x148: {  	[sflag:s17] =	ssyncadd.s32 $0xFFFFF800  }
0x149: {  	[tilespmem:s20], [sflag:$0x1] =	stream.indirect.gather [hbm4b:s5+s19], $0x80, s4, s19, $0xb8;
	[tilespmem:$0x1D000] =	vst v63  }
0x14a: {  	_ = 	snop  }
0x14b: {  	[tilespmem:s21], [sflag:$0x2] =	stream.indirect.gather [hbm4b:s5+s19], $0x80, s19, s19, $0xb8;
	[tilespmem:$0x1D000] =	vst v63  }
0x14c: {  	_ =	swait.ge [sflag:s22], $0x4000  }
0x14d: {  	[sflag:s22] =	ssyncset.done $0x0  }
0x14e: {  	[sflag:s22] =	ssyncadd.s32 $0xFFFFC000  }
0x14f: {  	[spmem:s3] =	stream.indirect.scatter.add.f32 [tilespmem:s20], [sflag:$0x3], $0x80, s18, s19, $0xb8;
	[tilespmem:$0x1D000] =	vst v63  }
0x150: {  	_ =	swait.ge [sflag:s17], $0x4000  }
0x151: {  	[sflag:s17] =	ssyncset.done $0x0  }
0x152: {  	[sflag:s17] =	ssyncadd.s32 $0xFFFFC000  }
0x153: {  	[tilespmem:s20], [sflag:$0x1] =	stream.indirect.gather [hbm4b:s5+s19], $0x80, s15, s19, $0xb8;
	[tilespmem:$0x1D000] =	vst v63  }
0x154: {  	_ =	swait.ge [sflag:s24], $0x4000  }
0x155: {  	[sflag:s24] =	ssyncset.done $0x0  }
0x156: {  	[sflag:s24] =	ssyncadd.s32 $0xFFFFC000  }
0x157: {  	[spmem:s3] =	stream.indirect.scatter.add.f32 [tilespmem:s21], [sflag:$0x3], $0x80, s8, s19, $0xb8;
	[tilespmem:$0x1D000] =	vst v63  }
0x158: {  	_ =	swait.ge [sflag:s17], $0x4000  }
0x159: {  	[sflag:s17] =	ssyncset.done $0x0  }
0x15a: {  	[sflag:s17] =	ssyncadd.s32 $0xFFFFC000  }
0x15b: {  	[tilespmem:s21], [sflag:$0x2] =	stream.indirect.gather [hbm4b:s5+s19], $0x80, s16, s19, $0xb8;
	[tilespmem:$0x1D000] =	vst v63  }
0x15c: {  	_ =	swait.ge [sflag:s22], $0x4000  }
0x15d: {  	[sflag:s22] =	ssyncset.done $0x0  }
0x15e: {  	[sflag:s22] =	ssyncadd.s32 $0xFFFFC000  }
0x15f: {  	[spmem:s3] =	stream.indirect.scatter.add.f32 [tilespmem:s20], [sflag:$0x3], $0x80, s23, s19, $0xb8;
	[tilespmem:$0x1D000] =	vst v63  }
0x160: {  	_ =	swait.ge [sflag:s17], $0x4000  }
0x161: {  	[sflag:s17] =	ssyncset.done $0x0  }
0x162: {  	[sflag:s17] =	ssyncadd.s32 $0xFFFFC000  }
0x163: {  	[tilespmem:s20], [sflag:$0x1] =	stream.indirect.gather [hbm4b:s5+s19], $0x80, s25, s19, $0xb8;
	[tilespmem:$0x1D000] =	vst v63  }
0x164: {  	_ =	swait.ge [sflag:s24], $0x4000  }
0x165: {  	[sflag:s24] =	ssyncset.done $0x0  }
0x166: {  	[sflag:s24] =	ssyncadd.s32 $0xFFFFC000  }
0x167: {  	[spmem:s3] =	stream.indirect.scatter.add.f32 [tilespmem:s21], [sflag:$0x3], $0x80, s26, s19, $0xb8;
	[tilespmem:$0x1D000] =	vst v63  }
0x168: {  	_ =	swait.ge [sflag:s17], $0x4000  }
0x169: {  	[sflag:s17] =	ssyncset.done $0x0  }
0x16a: {  	[sflag:s17] =	ssyncadd.s32 $0xFFFFC000  }
0x16b: {  	[tilespmem:s21], [sflag:$0x2] =	stream.indirect.gather [hbm4b:s5+s19], $0x80, s28, s19, $0xb8;
	[tilespmem:$0x1D000] =	vst v63  }
0x16c: {  	_ =	swait.ge [sflag:s22], $0x4000  }
0x16d: {  	[sflag:s22] =	ssyncset.done $0x0  }
0x16e: {  	[sflag:s22] =	ssyncadd.s32 $0xFFFFC000  }
0x16f: {  	[spmem:s3] =	stream.indirect.scatter.add.f32 [tilespmem:s20], [sflag:$0x3], $0x80, s29, s19, $0xb8;
	[tilespmem:$0x1D000] =	vst v63  }
0x170: {  	_ =	swait.ge [sflag:s17], $0x4000  }
0x171: {  	[sflag:s17] =	ssyncset.done $0x0  }
0x172: {  	[sflag:s17] =	ssyncadd.s32 $0xFFFFC000  }
0x173: {  	[tilespmem:s20], [sflag:$0x1] =	stream.indirect.gather [hbm4b:s5+s19], $0x80, s30, s19, $0xb8;
	[tilespmem:$0x1D000] =	vst v63  }
0x174: {  	_ =	swait.ge [sflag:s24], $0x4000  }
0x175: {  	[sflag:s24] =	ssyncset.done $0x0  }
0x176: {  	[sflag:s24] =	ssyncadd.s32 $0xFFFFC000  }
0x177: {  	[spmem:s3] =	stream.indirect.scatter.add.f32 [tilespmem:s21], [sflag:$0x3], $0x80, s31, s19, $0xb8;
	[tilespmem:$0x1D000] =	vst v63  }
0x178: {  	_ =	swait.ge [sflag:s17], $0x4000  }
0x179: {  	[sflag:s17] =	ssyncset.done $0x0  }
0x17a: {  	[sflag:s17] =	ssyncadd.s32 $0xFFFFC000  }
0x17b: {  	[tilespmem:s21], [sflag:$0x2] =	stream.indirect.gather [hbm4b:s5+s19], $0x80, s0, s19, $0xb8;
	[tilespmem:$0x1D000] =	vst v63  }
0x17c: {  	_ =	swait.ge [sflag:s22], $0x4000  }
0x17d: {  	[sflag:s22] =	ssyncset.done $0x0  }
0x17e: {  	[sflag:s22] =	ssyncadd.s32 $0xFFFFC000  }
0x17f: {  	[spmem:s3] =	stream.indirect.scatter.add.f32 [tilespmem:s20], [sflag:$0x3], $0x80, s2, s19, $0xb8;
	[tilespmem:$0x1D000] =	vst v63  }
0x180: {  	_ =	swait.ge [sflag:s17], $0x4000  }
0x181: {  	[sflag:s17] =	ssyncset.done $0x0  }
0x182: {  	[sflag:s17] =	ssyncadd.s32 $0xFFFFC000  }
0x183: {  	[tilespmem:s20], [sflag:$0x1] =	stream.indirect.gather [hbm4b:s5+s19], $0x80, s9, s19, $0xb8;
	[tilespmem:$0x1D000] =	vst v63  }
0x184: {  	_ =	swait.ge [sflag:s24], $0x4000  }
0x185: {  	[sflag:s24] =	ssyncset.done $0x0  }
0x186: {  	[sflag:s24] =	ssyncadd.s32 $0xFFFFC000  }
0x187: {  	[spmem:s3] =	stream.indirect.scatter.add.f32 [tilespmem:s21], [sflag:$0x3], $0x80, s10, s19, $0xb8;
	[tilespmem:$0x1D000] =	vst v63  }
0x188: {  	_ =	swait.ge [sflag:s17], $0x4000  }
0x189: {  	[sflag:s17] =	ssyncset.done $0x0  }
0x18a: {  	s14 =	simm.s32 $0x480;
	[sflag:s17] =	ssyncadd.s32 $0xFFFFC000  }
0x18b: {  	[tilespmem:s21], [sflag:$0x2] =	stream.indirect.gather [hbm4b:s5+s19], $0x80, s14, s19, $0xb8;
	[tilespmem:$0x1D000] =	vst v63  }
0x18c: {  	_ =	swait.ge [sflag:s22], $0x4000  }
0x18d: {  	[sflag:s22] =	ssyncset.done $0x0  }
0x18e: {  	[sflag:s22] =	ssyncadd.s32 $0xFFFFC000  }
0x18f: {  	[spmem:s3] =	stream.indirect.scatter.add.f32 [tilespmem:s20], [sflag:$0x3], $0x80, s11, s19, $0xb8;
	[tilespmem:$0x1D000] =	vst v63  }
0x190: {  	_ =	swait.ge [sflag:s17], $0x4000  }
0x191: {  	[sflag:s17] =	ssyncset.done $0x0  }
0x192: {  	s14 =	simm.s32 $0x500;
	[sflag:s17] =	ssyncadd.s32 $0xFFFFC000  }
0x193: {  	[tilespmem:s20], [sflag:$0x1] =	stream.indirect.gather [hbm4b:s5+s19], $0x80, s14, s19, $0xb8;
	[tilespmem:$0x1D000] =	vst v63  }
0x194: {  	_ =	swait.ge [sflag:s24], $0x4000  }
0x195: {  	[sflag:s24] =	ssyncset.done $0x0  }
0x196: {  	s14 =	simm.s32 $0xC80;
	[sflag:s24] =	ssyncadd.s32 $0xFFFFC000  }
0x197: {  	[spmem:s3] =	stream.indirect.scatter.add.f32 [tilespmem:s21], [sflag:$0x3], $0x80, s14, s19, $0xb8;
	[tilespmem:$0x1D000] =	vst v63  }
0x198: {  	_ =	swait.ge [sflag:s17], $0x4000  }
0x199: {  	[sflag:s17] =	ssyncset.done $0x0  }
0x19a: {  	s14 =	simm.s32 $0x580;
	[sflag:s17] =	ssyncadd.s32 $0xFFFFC000  }
0x19b: {  	[tilespmem:s21], [sflag:$0x2] =	stream.indirect.gather [hbm4b:s5+s19], $0x80, s14, s19, $0xb8;
	[tilespmem:$0x1D000] =	vst v63  }
0x19c: {  	_ =	swait.ge [sflag:s22], $0x4000  }
0x19d: {  	[sflag:s22] =	ssyncset.done $0x0  }
0x19e: {  	s14 =	simm.s32 $0xD00;
	[sflag:s22] =	ssyncadd.s32 $0xFFFFC000  }
0x19f: {  	[spmem:s3] =	stream.indirect.scatter.add.f32 [tilespmem:s20], [sflag:$0x3], $0x80, s14, s19, $0xb8;
	[tilespmem:$0x1D000] =	vst v63  }
0x1a0: {  	_ =	swait.ge [sflag:s17], $0x4000  }
0x1a1: {  	[sflag:s17] =	ssyncset.done $0x0  }
0x1a2: {  	s14 =	simm.s32 $0x600;
	[sflag:s17] =	ssyncadd.s32 $0xFFFFC000  }
0x1a3: {  	[tilespmem:s20], [sflag:$0x1] =	stream.indirect.gather [hbm4b:s5+s19], $0x80, s14, s19, $0xb8;
	[tilespmem:$0x1D000] =	vst v63  }
0x1a4: {  	_ =	swait.ge [sflag:s24], $0x4000  }
0x1a5: {  	[sflag:s24] =	ssyncset.done $0x0  }
0x1a6: {  	s14 =	simm.s32 $0xD80;
	[sflag:s24] =	ssyncadd.s32 $0xFFFFC000  }
0x1a7: {  	[spmem:s3] =	stream.indirect.scatter.add.f32 [tilespmem:s21], [sflag:$0x3], $0x80, s14, s19, $0xb8;
	[tilespmem:$0x1D000] =	vst v63  }
0x1a8: {  	_ =	swait.ge [sflag:s17], $0x4000  }
0x1a9: {  	[sflag:s17] =	ssyncset.done $0x0  }
0x1aa: {  	s14 =	simm.s32 $0x680;
	[sflag:s17] =	ssyncadd.s32 $0xFFFFC000  }
0x1ab: {  	[tilespmem:s21], [sflag:$0x2] =	stream.indirect.gather [hbm4b:s5+s19], $0x80, s14, s19, $0xb8;
	[tilespmem:$0x1D000] =	vst v63  }
0x1ac: {  	_ =	swait.ge [sflag:s22], $0x4000  }
0x1ad: {  	[sflag:s22] =	ssyncset.done $0x0  }
0x1ae: {  	s14 =	simm.s32 $0xE00;
	[sflag:s22] =	ssyncadd.s32 $0xFFFFC000  }
0x1af: {  	[spmem:s3] =	stream.indirect.scatter.add.f32 [tilespmem:s20], [sflag:$0x3], $0x80, s14, s19, $0xb8;
	[tilespmem:$0x1D000] =	vst v63  }
0x1b0: {  	_ =	swait.ge [sflag:s17], $0x4000  }
0x1b1: {  	[sflag:s17] =	ssyncset.done $0x0  }
0x1b2: {  	s14 =	simm.s32 $0x700;
	[sflag:s17] =	ssyncadd.s32 $0xFFFFC000  }
0x1b3: {  	[tilespmem:s20], [sflag:$0x1] =	stream.indirect.gather [hbm4b:s5+s19], $0x80, s14, s19, $0xb8;
	[tilespmem:$0x1D000] =	vst v63  }
0x1b4: {  	_ =	swait.ge [sflag:s24], $0x4000  }
0x1b5: {  	[sflag:s24] =	ssyncset.done $0x0  }
0x1b6: {  	s14 =	simm.s32 $0xE80;
	[sflag:s24] =	ssyncadd.s32 $0xFFFFC000  }
0x1b7: {  	[spmem:s3] =	stream.indirect.scatter.add.f32 [tilespmem:s21], [sflag:$0x3], $0x80, s14, s19, $0xb8;
	[tilespmem:$0x1D000] =	vst v63  }
0x1b8: {  	_ =	swait.ge [sflag:s17], $0x4000  }
0x1b9: {  	[sflag:s17] =	ssyncset.done $0x0  }
0x1ba: {  	s14 =	simm.s32 $0x780;
	[sflag:s17] =	ssyncadd.s32 $0xFFFFC000  }
0x1bb: {  	[tilespmem:s21], [sflag:$0x2] =	stream.indirect.gather [hbm4b:s5+s19], $0x80, s14, s19, $0xb8;
	[tilespmem:$0x1D000] =	vst v63  }
0x1bc: {  	_ =	swait.ge [sflag:s22], $0x4000  }
0x1bd: {  	[sflag:s22] =	ssyncset.done $0x0  }
0x1be: {  	s14 =	simm.s32 $0xF00;
	[sflag:s22] =	ssyncadd.s32 $0xFFFFC000  }
0x1bf: {  	[spmem:s3] =	stream.indirect.scatter.add.f32 [tilespmem:s20], [sflag:$0x3], $0x80, s14, s19, $0xb8;
	[tilespmem:$0x1D000] =	vst v63  }
0x1c0: {  	_ =	swait.ge [sflag:s17], $0x4000  }
0x1c1: {  	[sflag:s17] =	ssyncset.done $0x0  }
0x1c2: {  	[sflag:s17] =	ssyncadd.s32 $0xFFFFC000  }
0x1c3: {  	_ =	swait.ge [sflag:s24], $0x4000  }
.Ltmp3:
0x1c4: {  	[sflag:s24] =	ssyncset.done $0x0;
	(pc) =	sbr.rel @p1 .LBB2_6-.Ltmp3, $4  }
0x1c5: {  	s14 =	simm.s32 $0xF80;
	[sflag:s24] =	ssyncadd.s32 $0xFFFFC000  }
0x1c6: {  	[spmem:s3] =	stream.indirect.scatter.add.f32 [tilespmem:s21], [sflag:$0x3], $0x80, s14, s19, $0xb8;
	[tilespmem:$0x1D000] =	vst v63  }
0x1c7: {  	_ =	swait.ge [sflag:s17], $0x4000  }
0x1c8: {  	s14 =	smov.u32 s7;
	[sflag:s17] =	ssyncset.done $0x0  }
.Ltmp4:
0x1c9: {  	_ = 	snop;
	(pc) =	sbr.rel .LBB2_7-.Ltmp4, $1  }
0x1ca: {  	_ =	sdelay $0x3  }
.LBB2_2:
0x1cb: {  	s6 =	rddreg [dreg:$0xa]  }
0x1cc: {  	s10 =	sor.u32 $0x1C03, s6;
	s6 =	rddreg [dreg:$0x7]  }
0x1cd: {  	[dreg:$0xe] =	wrdreg s10  }
0x1ce: {  	[spmem:s11], [sflag:s10] =	dma.local [hbm:s6], $0x2800  }
0x1cf: {  	_ =	swait.ge [sflag:s17], $0x2800  }
0x1d0: {  	[sflag:s17] =	ssyncset.done $0x0  }
0x1d1: {  	[sflag:s17] =	ssyncadd.s32 $0xFFFFD800  }
0x1d2: {  	s10 =	sadd.s32 $0x0, s13;
	[bflag:$0x0] =	sbarrier.arrive $0xFFFF  }
0x1d3: {  	[tilespmem:s4], [sflag:$0x3] =	stream.linear.gather [hbm4b:s10+s4], $0x800, $0x38;
	[tilespmem:$0x1D000] =	vst v63  }
0x1d4: {  	_ =	swait.ge [sflag:s17], $0x800  }
0x1d5: {  	[sflag:s17] =	ssyncset.done $0x0  }
0x1d6: {  	s11 =	sadd.s32 $0x0, s12;
	[sflag:s17] =	ssyncadd.s32 $0xFFFFF800  }
0x1d7: {  	[tilespmem:s18], [sflag:$0x3] =	stream.linear.gather [hbm4b:s11+s4], $0x800, $0x38;
	[tilespmem:$0x1D000] =	vst v63  }
0x1d8: {  	_ =	swait.ge [sflag:s17], $0x800  }
0x1d9: {  	[sflag:s17] =	ssyncset.done $0x0  }
0x1da: {  	[sflag:s17] =	ssyncadd.s32 $0xFFFFF800  }
0x1db: {  	[tilespmem:s20], [sflag:$0x1] =	stream.indirect.gather [hbm4b:s1+s19], $0x80, s4, s19, $0xb8;
	[tilespmem:$0x1D000] =	vst v63  }
0x1dc: {  	_ = 	snop  }
0x1dd: {  	[tilespmem:s21], [sflag:$0x2] =	stream.indirect.gather [hbm4b:s1+s19], $0x80, s19, s19, $0xb8;
	[tilespmem:$0x1D000] =	vst v63  }
0x1de: {  	_ =	swait.ge [sflag:s22], $0x4000  }
0x1df: {  	[sflag:s22] =	ssyncset.done $0x0  }
0x1e0: {  	[sflag:s22] =	ssyncadd.s32 $0xFFFFC000  }
0x1e1: {  	[spmem:s3] =	stream.indirect.scatter.add.f32 [tilespmem:s20], [sflag:$0x3], $0x80, s18, s19, $0xb8;
	[tilespmem:$0x1D000] =	vst v63  }
0x1e2: {  	_ =	swait.ge [sflag:s17], $0x4000  }
0x1e3: {  	[sflag:s17] =	ssyncset.done $0x0  }
0x1e4: {  	[sflag:s17] =	ssyncadd.s32 $0xFFFFC000  }
0x1e5: {  	[tilespmem:s20], [sflag:$0x1] =	stream.indirect.gather [hbm4b:s1+s19], $0x80, s15, s19, $0xb8;
	[tilespmem:$0x1D000] =	vst v63  }
0x1e6: {  	_ =	swait.ge [sflag:s24], $0x4000  }
0x1e7: {  	[sflag:s24] =	ssyncset.done $0x0  }
0x1e8: {  	[sflag:s24] =	ssyncadd.s32 $0xFFFFC000  }
0x1e9: {  	[spmem:s3] =	stream.indirect.scatter.add.f32 [tilespmem:s21], [sflag:$0x3], $0x80, s8, s19, $0xb8;
	[tilespmem:$0x1D000] =	vst v63  }
0x1ea: {  	_ =	swait.ge [sflag:s17], $0x4000  }
0x1eb: {  	[sflag:s17] =	ssyncset.done $0x0  }
0x1ec: {  	[sflag:s17] =	ssyncadd.s32 $0xFFFFC000  }
0x1ed: {  	[tilespmem:s21], [sflag:$0x2] =	stream.indirect.gather [hbm4b:s1+s19], $0x80, s14, s19, $0xb8;
	[tilespmem:$0x1D000] =	vst v63  }
0x1ee: {  	_ =	swait.ge [sflag:s22], $0x4000  }
0x1ef: {  	[sflag:s22] =	ssyncset.done $0x0  }
0x1f0: {  	[sflag:s22] =	ssyncadd.s32 $0xFFFFC000  }
0x1f1: {  	[spmem:s3] =	stream.indirect.scatter.add.f32 [tilespmem:s20], [sflag:$0x3], $0x80, s16, s19, $0xb8;
	[tilespmem:$0x1D000] =	vst v63  }
0x1f2: {  	_ =	swait.ge [sflag:s17], $0x4000  }
0x1f3: {  	[sflag:s17] =	ssyncset.done $0x0  }
0x1f4: {  	[sflag:s17] =	ssyncadd.s32 $0xFFFFC000  }
0x1f5: {  	[tilespmem:s20], [sflag:$0x1] =	stream.indirect.gather [hbm4b:s1+s19], $0x80, s23, s19, $0xb8;
	[tilespmem:$0x1D000] =	vst v63  }
0x1f6: {  	_ =	swait.ge [sflag:s24], $0x4000  }
0x1f7: {  	[sflag:s24] =	ssyncset.done $0x0  }
0x1f8: {  	[sflag:s24] =	ssyncadd.s32 $0xFFFFC000  }
0x1f9: {  	[spmem:s3] =	stream.indirect.scatter.add.f32 [tilespmem:s21], [sflag:$0x3], $0x80, s25, s19, $0xb8;
	[tilespmem:$0x1D000] =	vst v63  }
0x1fa: {  	_ =	swait.ge [sflag:s17], $0x4000  }
0x1fb: {  	[sflag:s17] =	ssyncset.done $0x0  }
0x1fc: {  	[sflag:s17] =	ssyncadd.s32 $0xFFFFC000  }
0x1fd: {  	[tilespmem:s21], [sflag:$0x2] =	stream.indirect.gather [hbm4b:s1+s19], $0x80, s26, s19, $0xb8;
	[tilespmem:$0x1D000] =	vst v63  }
0x1fe: {  	_ =	swait.ge [sflag:s22], $0x4000  }
0x1ff: {  	[sflag:s22] =	ssyncset.done $0x0  }
0x200: {  	[sflag:s22] =	ssyncadd.s32 $0xFFFFC000  }
0x201: {  	[spmem:s3] =	stream.indirect.scatter.add.f32 [tilespmem:s20], [sflag:$0x3], $0x80, s28, s19, $0xb8;
	[tilespmem:$0x1D000] =	vst v63  }
0x202: {  	_ =	swait.ge [sflag:s17], $0x4000  }
0x203: {  	[sflag:s17] =	ssyncset.done $0x0  }
0x204: {  	[sflag:s17] =	ssyncadd.s32 $0xFFFFC000  }
0x205: {  	[tilespmem:s20], [sflag:$0x1] =	stream.indirect.gather [hbm4b:s1+s19], $0x80, s29, s19, $0xb8;
	[tilespmem:$0x1D000] =	vst v63  }
0x206: {  	_ =	swait.ge [sflag:s24], $0x4000  }
0x207: {  	[sflag:s24] =	ssyncset.done $0x0  }
0x208: {  	[sflag:s24] =	ssyncadd.s32 $0xFFFFC000  }
0x209: {  	[spmem:s3] =	stream.indirect.scatter.add.f32 [tilespmem:s21], [sflag:$0x3], $0x80, s30, s19, $0xb8;
	[tilespmem:$0x1D000] =	vst v63  }
0x20a: {  	_ =	swait.ge [sflag:s17], $0x4000  }
0x20b: {  	[sflag:s17] =	ssyncset.done $0x0  }
0x20c: {  	[sflag:s17] =	ssyncadd.s32 $0xFFFFC000  }
0x20d: {  	[tilespmem:s21], [sflag:$0x2] =	stream.indirect.gather [hbm4b:s1+s19], $0x80, s0, s19, $0xb8;
	[tilespmem:$0x1D000] =	vst v63  }
0x20e: {  	_ =	swait.ge [sflag:s22], $0x4000  }
0x20f: {  	[sflag:s22] =	ssyncset.done $0x0  }
0x210: {  	[sflag:s22] =	ssyncadd.s32 $0xFFFFC000  }
0x211: {  	[spmem:s3] =	stream.indirect.scatter.add.f32 [tilespmem:s20], [sflag:$0x3], $0x80, s2, s19, $0xb8;
	[tilespmem:$0x1D000] =	vst v63  }
0x212: {  	_ =	swait.ge [sflag:s17], $0x4000  }
0x213: {  	[sflag:s17] =	ssyncset.done $0x0  }
0x214: {  	[sflag:s17] =	ssyncadd.s32 $0xFFFFC000  }
0x215: {  	[tilespmem:s20], [sflag:$0x1] =	stream.indirect.gather [hbm4b:s1+s19], $0x80, s9, s19, $0xb8;
	[tilespmem:$0x1D000] =	vst v63  }
0x216: {  	_ =	swait.ge [sflag:s24], $0x4000  }
0x217: {  	[sflag:s24] =	ssyncset.done $0x0  }
0x218: {  	s25 =	simm.s32 $0xB80;
	[sflag:s24] =	ssyncadd.s32 $0xFFFFC000  }
0x219: {  	[spmem:s3] =	stream.indirect.scatter.add.f32 [tilespmem:s21], [sflag:$0x3], $0x80, s25, s19, $0xb8;
	[tilespmem:$0x1D000] =	vst v63  }
0x21a: {  	_ =	swait.ge [sflag:s17], $0x4000  }
0x21b: {  	[sflag:s17] =	ssyncset.done $0x0  }
0x21c: {  	s26 =	simm.s32 $0x480;
	[sflag:s17] =	ssyncadd.s32 $0xFFFFC000  }
0x21d: {  	[tilespmem:s21], [sflag:$0x2] =	stream.indirect.gather [hbm4b:s1+s19], $0x80, s26, s19, $0xb8;
	[tilespmem:$0x1D000] =	vst v63  }
0x21e: {  	_ =	swait.ge [sflag:s22], $0x4000  }
0x21f: {  	[sflag:s22] =	ssyncset.done $0x0  }
0x220: {  	s2 =	simm.s32 $0xC00;
	[sflag:s22] =	ssyncadd.s32 $0xFFFFC000  }
0x221: {  	[spmem:s3] =	stream.indirect.scatter.add.f32 [tilespmem:s20], [sflag:$0x3], $0x80, s2, s19, $0xb8;
	[tilespmem:$0x1D000] =	vst v63  }
0x222: {  	_ =	swait.ge [sflag:s17], $0x4000  }
0x223: {  	[sflag:s17] =	ssyncset.done $0x0  }
0x224: {  	[sflag:s17] =	ssyncadd.s32 $0xFFFFC000  }
0x225: {  	[tilespmem:s20], [sflag:$0x1] =	stream.indirect.gather [hbm4b:s1+s19], $0x80, s7, s19, $0xb8;
	[tilespmem:$0x1D000] =	vst v63  }
0x226: {  	_ =	swait.ge [sflag:s24], $0x4000  }
0x227: {  	[sflag:s24] =	ssyncset.done $0x0  }
0x228: {  	s6 =	simm.s32 $0xC80;
	[sflag:s24] =	ssyncadd.s32 $0xFFFFC000  }
0x229: {  	[spmem:s3] =	stream.indirect.scatter.add.f32 [tilespmem:s21], [sflag:$0x3], $0x80, s6, s19, $0xb8;
	[tilespmem:$0x1D000] =	vst v63  }
0x22a: {  	_ =	swait.ge [sflag:s17], $0x4000  }
0x22b: {  	[sflag:s17] =	ssyncset.done $0x0  }
0x22c: {  	s7 =	simm.s32 $0x580;
	[sflag:s17] =	ssyncadd.s32 $0xFFFFC000  }
0x22d: {  	[tilespmem:s21], [sflag:$0x2] =	stream.indirect.gather [hbm4b:s1+s19], $0x80, s7, s19, $0xb8;
	[tilespmem:$0x1D000] =	vst v63  }
0x22e: {  	_ =	swait.ge [sflag:s22], $0x4000  }
0x22f: {  	[sflag:s22] =	ssyncset.done $0x0  }
0x230: {  	s8 =	simm.s32 $0xD00;
	[sflag:s22] =	ssyncadd.s32 $0xFFFFC000  }
0x231: {  	[spmem:s3] =	stream.indirect.scatter.add.f32 [tilespmem:s20], [sflag:$0x3], $0x80, s8, s19, $0xb8;
	[tilespmem:$0x1D000] =	vst v63  }
0x232: {  	_ =	swait.ge [sflag:s17], $0x4000  }
0x233: {  	[sflag:s17] =	ssyncset.done $0x0  }
0x234: {  	s9 =	simm.s32 $0x600;
	[sflag:s17] =	ssyncadd.s32 $0xFFFFC000  }
0x235: {  	[tilespmem:s20], [sflag:$0x1] =	stream.indirect.gather [hbm4b:s1+s19], $0x80, s9, s19, $0xb8;
	[tilespmem:$0x1D000] =	vst v63  }
0x236: {  	_ =	swait.ge [sflag:s24], $0x4000  }
0x237: {  	[sflag:s24] =	ssyncset.done $0x0  }
0x238: {  	s10 =	simm.s32 $0xD80;
	[sflag:s24] =	ssyncadd.s32 $0xFFFFC000  }
0x239: {  	[spmem:s3] =	stream.indirect.scatter.add.f32 [tilespmem:s21], [sflag:$0x3], $0x80, s10, s19, $0xb8;
	[tilespmem:$0x1D000] =	vst v63  }
0x23a: {  	_ =	swait.ge [sflag:s17], $0x4000  }
0x23b: {  	[sflag:s17] =	ssyncset.done $0x0  }
0x23c: {  	s11 =	simm.s32 $0x680;
	[sflag:s17] =	ssyncadd.s32 $0xFFFFC000  }
0x23d: {  	[tilespmem:s21], [sflag:$0x2] =	stream.indirect.gather [hbm4b:s1+s19], $0x80, s11, s19, $0xb8;
	[tilespmem:$0x1D000] =	vst v63  }
0x23e: {  	_ =	swait.ge [sflag:s22], $0x4000  }
0x23f: {  	[sflag:s22] =	ssyncset.done $0x0  }
0x240: {  	s14 =	simm.s32 $0xE00;
	[sflag:s22] =	ssyncadd.s32 $0xFFFFC000  }
0x241: {  	[spmem:s3] =	stream.indirect.scatter.add.f32 [tilespmem:s20], [sflag:$0x3], $0x80, s14, s19, $0xb8;
	[tilespmem:$0x1D000] =	vst v63  }
0x242: {  	_ =	swait.ge [sflag:s17], $0x4000  }
0x243: {  	[sflag:s17] =	ssyncset.done $0x0  }
0x244: {  	s15 =	simm.s32 $0x700;
	[sflag:s17] =	ssyncadd.s32 $0xFFFFC000  }
0x245: {  	[tilespmem:s20], [sflag:$0x1] =	stream.indirect.gather [hbm4b:s1+s19], $0x80, s15, s19, $0xb8;
	[tilespmem:$0x1D000] =	vst v63  }
0x246: {  	_ =	swait.ge [sflag:s24], $0x4000  }
0x247: {  	[sflag:s24] =	ssyncset.done $0x0  }
0x248: {  	s16 =	simm.s32 $0xE80;
	[sflag:s24] =	ssyncadd.s32 $0xFFFFC000  }
0x249: {  	[spmem:s3] =	stream.indirect.scatter.add.f32 [tilespmem:s21], [sflag:$0x3], $0x80, s16, s19, $0xb8;
	[tilespmem:$0x1D000] =	vst v63  }
0x24a: {  	_ =	swait.ge [sflag:s17], $0x4000  }
0x24b: {  	[sflag:s17] =	ssyncset.done $0x0  }
0x24c: {  	s23 =	simm.s32 $0x780;
	[sflag:s17] =	ssyncadd.s32 $0xFFFFC000  }
0x24d: {  	[tilespmem:s21], [sflag:$0x2] =	stream.indirect.gather [hbm4b:s1+s19], $0x80, s23, s19, $0xb8;
	[tilespmem:$0x1D000] =	vst v63  }
0x24e: {  	_ =	swait.ge [sflag:s22], $0x4000  }
0x24f: {  	[sflag:s22] =	ssyncset.done $0x0  }
0x250: {  	s25 =	simm.s32 $0xF00;
	[sflag:s22] =	ssyncadd.s32 $0xFFFFC000  }
0x251: {  	[spmem:s3] =	stream.indirect.scatter.add.f32 [tilespmem:s20], [sflag:$0x3], $0x80, s25, s19, $0xb8;
	[tilespmem:$0x1D000] =	vst v63  }
0x252: {  	s31 =	simm.s32 $0xA80;
	s28 =	simm.s32 $0x280;
	_ =	swait.ge [sflag:s17], $0x4000  }
0x253: {  	s29 =	simm.s32 $0xA00;
	s30 =	simm.s32 $0x300;
	[sflag:s17] =	ssyncset.done $0x0  }
0x254: {  	s0 =	simm.s32 $0x380;
	s26 =	simm.s32 $0xF80;
	[sflag:s17] =	ssyncadd.s32 $0xFFFFC000  }
0x255: {  	s2 =	simm.s32 $0xB00;
	s6 =	simm.s32 $0x100;
	_ =	swait.ge [sflag:s24], $0x4000  }
0x256: {  	s7 =	simm.s32 $0x200;
	s8 =	simm.s32 $0x880;
	[sflag:s24] =	ssyncset.done $0x0  }
0x257: {  	s9 =	simm.s32 $0x400;
	s10 =	simm.s32 $0xB80;
	[sflag:s24] =	ssyncadd.s32 $0xFFFFC000  }
0x258: {  	[spmem:s3] =	stream.indirect.scatter.add.f32 [tilespmem:s21], [sflag:$0x3], $0x80, s26, s19, $0xb8;
	[tilespmem:$0x1D000] =	vst v63  }
0x259: {  	s16 =	simm.s32 $0x180;
	s23 =	simm.s32 $0x900;
	_ =	swait.ge [sflag:s17], $0x4000  }
0x25a: {  	s25 =	simm.s32 $0x200;
	s26 =	simm.s32 $0x980;
	[sflag:s17] =	ssyncset.done $0x0  }
.LBB2_3:
0x25b: {  	s11 =	sadd.s32 s6, s13  }
0x25c: {  	[sflag:s17] =	ssyncadd.s32 $0xFFFFC000;
	s15 =	smov.u32 s7;
	s14 =	sadd.s32 $0x100, s7  }
0x25d: {  	[tilespmem:s4], [sflag:$0x3] =	stream.linear.gather [hbm4b:s11+s4], $0x800, $0x38;
	[tilespmem:$0x1D000] =	vst v63  }
0x25e: {  	s11 =	simm.s32 $0xC00  }
0x25f: {  	p1 =	seq.s32 s7, $0x400;
	_ =	swait.ge [sflag:s17], $0x800  }
0x260: {  	s7 =	sadd.s32 s6, s12;
	[sflag:s17] =	ssyncset.done $0x0  }
0x261: {  	s6 =	smov.u32 s15;
	s15 =	simm.s32 $0x100;
	[sflag:s17] =	ssyncadd.s32 $0xFFFFF800  }
0x262: {  	[tilespmem:s18], [sflag:$0x3] =	stream.linear.gather [hbm4b:s7+s4], $0x800, $0x38;
	[tilespmem:$0x1D000] =	vst v63  }
0x263: {  	_ =	swait.ge [sflag:s17], $0x800  }
0x264: {  	[sflag:s17] =	ssyncset.done $0x0  }
0x265: {  	[sflag:s17] =	ssyncadd.s32 $0xFFFFF800  }
0x266: {  	[tilespmem:s20], [sflag:$0x1] =	stream.indirect.gather [hbm4b:s1+s19], $0x80, s4, s19, $0xb8;
	[tilespmem:$0x1D000] =	vst v63  }
0x267: {  	_ = 	snop  }
0x268: {  	[tilespmem:s21], [sflag:$0x2] =	stream.indirect.gather [hbm4b:s1+s19], $0x80, s19, s19, $0xb8;
	[tilespmem:$0x1D000] =	vst v63  }
0x269: {  	_ =	swait.ge [sflag:s22], $0x4000  }
0x26a: {  	[sflag:s22] =	ssyncset.done $0x0  }
0x26b: {  	[sflag:s22] =	ssyncadd.s32 $0xFFFFC000  }
0x26c: {  	[spmem:s3] =	stream.indirect.scatter.add.f32 [tilespmem:s20], [sflag:$0x3], $0x80, s18, s19, $0xb8;
	[tilespmem:$0x1D000] =	vst v63  }
0x26d: {  	_ =	swait.ge [sflag:s17], $0x4000  }
0x26e: {  	[sflag:s17] =	ssyncset.done $0x0  }
0x26f: {  	[sflag:s17] =	ssyncadd.s32 $0xFFFFC000  }
0x270: {  	[tilespmem:s20], [sflag:$0x1] =	stream.indirect.gather [hbm4b:s1+s19], $0x80, s15, s19, $0xb8;
	[tilespmem:$0x1D000] =	vst v63  }
0x271: {  	_ =	swait.ge [sflag:s24], $0x4000  }
0x272: {  	[sflag:s24] =	ssyncset.done $0x0  }
0x273: {  	[sflag:s24] =	ssyncadd.s32 $0xFFFFC000  }
0x274: {  	[spmem:s3] =	stream.indirect.scatter.add.f32 [tilespmem:s21], [sflag:$0x3], $0x80, s8, s19, $0xb8;
	[tilespmem:$0x1D000] =	vst v63  }
0x275: {  	_ =	swait.ge [sflag:s17], $0x4000  }
0x276: {  	[sflag:s17] =	ssyncset.done $0x0  }
0x277: {  	[sflag:s17] =	ssyncadd.s32 $0xFFFFC000  }
0x278: {  	[tilespmem:s21], [sflag:$0x2] =	stream.indirect.gather [hbm4b:s1+s19], $0x80, s16, s19, $0xb8;
	[tilespmem:$0x1D000] =	vst v63  }
0x279: {  	_ =	swait.ge [sflag:s22], $0x4000  }
0x27a: {  	[sflag:s22] =	ssyncset.done $0x0  }
0x27b: {  	[sflag:s22] =	ssyncadd.s32 $0xFFFFC000  }
0x27c: {  	[spmem:s3] =	stream.indirect.scatter.add.f32 [tilespmem:s20], [sflag:$0x3], $0x80, s23, s19, $0xb8;
	[tilespmem:$0x1D000] =	vst v63  }
0x27d: {  	_ =	swait.ge [sflag:s17], $0x4000  }
0x27e: {  	[sflag:s17] =	ssyncset.done $0x0  }
0x27f: {  	[sflag:s17] =	ssyncadd.s32 $0xFFFFC000  }
0x280: {  	[tilespmem:s20], [sflag:$0x1] =	stream.indirect.gather [hbm4b:s1+s19], $0x80, s25, s19, $0xb8;
	[tilespmem:$0x1D000] =	vst v63  }
0x281: {  	_ =	swait.ge [sflag:s24], $0x4000  }
0x282: {  	[sflag:s24] =	ssyncset.done $0x0  }
0x283: {  	[sflag:s24] =	ssyncadd.s32 $0xFFFFC000  }
0x284: {  	[spmem:s3] =	stream.indirect.scatter.add.f32 [tilespmem:s21], [sflag:$0x3], $0x80, s26, s19, $0xb8;
	[tilespmem:$0x1D000] =	vst v63  }
0x285: {  	_ =	swait.ge [sflag:s17], $0x4000  }
0x286: {  	[sflag:s17] =	ssyncset.done $0x0  }
0x287: {  	[sflag:s17] =	ssyncadd.s32 $0xFFFFC000  }
0x288: {  	[tilespmem:s21], [sflag:$0x2] =	stream.indirect.gather [hbm4b:s1+s19], $0x80, s28, s19, $0xb8;
	[tilespmem:$0x1D000] =	vst v63  }
0x289: {  	_ =	swait.ge [sflag:s22], $0x4000  }
0x28a: {  	[sflag:s22] =	ssyncset.done $0x0  }
0x28b: {  	[sflag:s22] =	ssyncadd.s32 $0xFFFFC000  }
0x28c: {  	[spmem:s3] =	stream.indirect.scatter.add.f32 [tilespmem:s20], [sflag:$0x3], $0x80, s29, s19, $0xb8;
	[tilespmem:$0x1D000] =	vst v63  }
0x28d: {  	_ =	swait.ge [sflag:s17], $0x4000  }
0x28e: {  	[sflag:s17] =	ssyncset.done $0x0  }
0x28f: {  	[sflag:s17] =	ssyncadd.s32 $0xFFFFC000  }
0x290: {  	[tilespmem:s20], [sflag:$0x1] =	stream.indirect.gather [hbm4b:s1+s19], $0x80, s30, s19, $0xb8;
	[tilespmem:$0x1D000] =	vst v63  }
0x291: {  	_ =	swait.ge [sflag:s24], $0x4000  }
0x292: {  	[sflag:s24] =	ssyncset.done $0x0  }
0x293: {  	[sflag:s24] =	ssyncadd.s32 $0xFFFFC000  }
0x294: {  	[spmem:s3] =	stream.indirect.scatter.add.f32 [tilespmem:s21], [sflag:$0x3], $0x80, s31, s19, $0xb8;
	[tilespmem:$0x1D000] =	vst v63  }
0x295: {  	_ =	swait.ge [sflag:s17], $0x4000  }
0x296: {  	[sflag:s17] =	ssyncset.done $0x0  }
0x297: {  	[sflag:s17] =	ssyncadd.s32 $0xFFFFC000  }
0x298: {  	[tilespmem:s21], [sflag:$0x2] =	stream.indirect.gather [hbm4b:s1+s19], $0x80, s0, s19, $0xb8;
	[tilespmem:$0x1D000] =	vst v63  }
0x299: {  	_ =	swait.ge [sflag:s22], $0x4000  }
0x29a: {  	[sflag:s22] =	ssyncset.done $0x0  }
0x29b: {  	[sflag:s22] =	ssyncadd.s32 $0xFFFFC000  }
0x29c: {  	[spmem:s3] =	stream.indirect.scatter.add.f32 [tilespmem:s20], [sflag:$0x3], $0x80, s2, s19, $0xb8;
	[tilespmem:$0x1D000] =	vst v63  }
0x29d: {  	_ =	swait.ge [sflag:s17], $0x4000  }
0x29e: {  	[sflag:s17] =	ssyncset.done $0x0  }
0x29f: {  	[sflag:s17] =	ssyncadd.s32 $0xFFFFC000  }
0x2a0: {  	[tilespmem:s20], [sflag:$0x1] =	stream.indirect.gather [hbm4b:s1+s19], $0x80, s9, s19, $0xb8;
	[tilespmem:$0x1D000] =	vst v63  }
0x2a1: {  	_ =	swait.ge [sflag:s24], $0x4000  }
0x2a2: {  	[sflag:s24] =	ssyncset.done $0x0  }
0x2a3: {  	[sflag:s24] =	ssyncadd.s32 $0xFFFFC000  }
0x2a4: {  	[spmem:s3] =	stream.indirect.scatter.add.f32 [tilespmem:s21], [sflag:$0x3], $0x80, s10, s19, $0xb8;
	[tilespmem:$0x1D000] =	vst v63  }
0x2a5: {  	_ =	swait.ge [sflag:s17], $0x4000  }
0x2a6: {  	[sflag:s17] =	ssyncset.done $0x0  }
0x2a7: {  	s7 =	simm.s32 $0x480;
	[sflag:s17] =	ssyncadd.s32 $0xFFFFC000  }
0x2a8: {  	[tilespmem:s21], [sflag:$0x2] =	stream.indirect.gather [hbm4b:s1+s19], $0x80, s7, s19, $0xb8;
	[tilespmem:$0x1D000] =	vst v63  }
0x2a9: {  	_ =	swait.ge [sflag:s22], $0x4000  }
0x2aa: {  	[sflag:s22] =	ssyncset.done $0x0  }
0x2ab: {  	[sflag:s22] =	ssyncadd.s32 $0xFFFFC000  }
0x2ac: {  	[spmem:s3] =	stream.indirect.scatter.add.f32 [tilespmem:s20], [sflag:$0x3], $0x80, s11, s19, $0xb8;
	[tilespmem:$0x1D000] =	vst v63  }
0x2ad: {  	_ =	swait.ge [sflag:s17], $0x4000  }
0x2ae: {  	[sflag:s17] =	ssyncset.done $0x0  }
0x2af: {  	s7 =	simm.s32 $0x500;
	[sflag:s17] =	ssyncadd.s32 $0xFFFFC000  }
0x2b0: {  	[tilespmem:s20], [sflag:$0x1] =	stream.indirect.gather [hbm4b:s1+s19], $0x80, s7, s19, $0xb8;
	[tilespmem:$0x1D000] =	vst v63  }
0x2b1: {  	_ =	swait.ge [sflag:s24], $0x4000  }
0x2b2: {  	[sflag:s24] =	ssyncset.done $0x0  }
0x2b3: {  	s7 =	simm.s32 $0xC80;
	[sflag:s24] =	ssyncadd.s32 $0xFFFFC000  }
0x2b4: {  	[spmem:s3] =	stream.indirect.scatter.add.f32 [tilespmem:s21], [sflag:$0x3], $0x80, s7, s19, $0xb8;
	[tilespmem:$0x1D000] =	vst v63  }
0x2b5: {  	_ =	swait.ge [sflag:s17], $0x4000  }
0x2b6: {  	[sflag:s17] =	ssyncset.done $0x0  }
0x2b7: {  	s7 =	simm.s32 $0x580;
	[sflag:s17] =	ssyncadd.s32 $0xFFFFC000  }
0x2b8: {  	[tilespmem:s21], [sflag:$0x2] =	stream.indirect.gather [hbm4b:s1+s19], $0x80, s7, s19, $0xb8;
	[tilespmem:$0x1D000] =	vst v63  }
0x2b9: {  	_ =	swait.ge [sflag:s22], $0x4000  }
0x2ba: {  	[sflag:s22] =	ssyncset.done $0x0  }
0x2bb: {  	s7 =	simm.s32 $0xD00;
	[sflag:s22] =	ssyncadd.s32 $0xFFFFC000  }
0x2bc: {  	[spmem:s3] =	stream.indirect.scatter.add.f32 [tilespmem:s20], [sflag:$0x3], $0x80, s7, s19, $0xb8;
	[tilespmem:$0x1D000] =	vst v63  }
0x2bd: {  	_ =	swait.ge [sflag:s17], $0x4000  }
0x2be: {  	[sflag:s17] =	ssyncset.done $0x0  }
0x2bf: {  	s7 =	simm.s32 $0x600;
	[sflag:s17] =	ssyncadd.s32 $0xFFFFC000  }
0x2c0: {  	[tilespmem:s20], [sflag:$0x1] =	stream.indirect.gather [hbm4b:s1+s19], $0x80, s7, s19, $0xb8;
	[tilespmem:$0x1D000] =	vst v63  }
0x2c1: {  	_ =	swait.ge [sflag:s24], $0x4000  }
0x2c2: {  	[sflag:s24] =	ssyncset.done $0x0  }
0x2c3: {  	s7 =	simm.s32 $0xD80;
	[sflag:s24] =	ssyncadd.s32 $0xFFFFC000  }
0x2c4: {  	[spmem:s3] =	stream.indirect.scatter.add.f32 [tilespmem:s21], [sflag:$0x3], $0x80, s7, s19, $0xb8;
	[tilespmem:$0x1D000] =	vst v63  }
0x2c5: {  	_ =	swait.ge [sflag:s17], $0x4000  }
0x2c6: {  	[sflag:s17] =	ssyncset.done $0x0  }
0x2c7: {  	s7 =	simm.s32 $0x680;
	[sflag:s17] =	ssyncadd.s32 $0xFFFFC000  }
0x2c8: {  	[tilespmem:s21], [sflag:$0x2] =	stream.indirect.gather [hbm4b:s1+s19], $0x80, s7, s19, $0xb8;
	[tilespmem:$0x1D000] =	vst v63  }
0x2c9: {  	_ =	swait.ge [sflag:s22], $0x4000  }
0x2ca: {  	[sflag:s22] =	ssyncset.done $0x0  }
0x2cb: {  	s7 =	simm.s32 $0xE00;
	[sflag:s22] =	ssyncadd.s32 $0xFFFFC000  }
0x2cc: {  	[spmem:s3] =	stream.indirect.scatter.add.f32 [tilespmem:s20], [sflag:$0x3], $0x80, s7, s19, $0xb8;
	[tilespmem:$0x1D000] =	vst v63  }
0x2cd: {  	_ =	swait.ge [sflag:s17], $0x4000  }
0x2ce: {  	[sflag:s17] =	ssyncset.done $0x0  }
0x2cf: {  	s7 =	simm.s32 $0x700;
	[sflag:s17] =	ssyncadd.s32 $0xFFFFC000  }
0x2d0: {  	[tilespmem:s20], [sflag:$0x1] =	stream.indirect.gather [hbm4b:s1+s19], $0x80, s7, s19, $0xb8;
	[tilespmem:$0x1D000] =	vst v63  }
0x2d1: {  	_ =	swait.ge [sflag:s24], $0x4000  }
0x2d2: {  	[sflag:s24] =	ssyncset.done $0x0  }
0x2d3: {  	s7 =	simm.s32 $0xE80;
	[sflag:s24] =	ssyncadd.s32 $0xFFFFC000  }
0x2d4: {  	[spmem:s3] =	stream.indirect.scatter.add.f32 [tilespmem:s21], [sflag:$0x3], $0x80, s7, s19, $0xb8;
	[tilespmem:$0x1D000] =	vst v63  }
0x2d5: {  	_ =	swait.ge [sflag:s17], $0x4000  }
0x2d6: {  	[sflag:s17] =	ssyncset.done $0x0  }
0x2d7: {  	s7 =	simm.s32 $0x780;
	[sflag:s17] =	ssyncadd.s32 $0xFFFFC000  }
0x2d8: {  	[tilespmem:s21], [sflag:$0x2] =	stream.indirect.gather [hbm4b:s1+s19], $0x80, s7, s19, $0xb8;
	[tilespmem:$0x1D000] =	vst v63  }
0x2d9: {  	_ =	swait.ge [sflag:s22], $0x4000  }
0x2da: {  	[sflag:s22] =	ssyncset.done $0x0  }
0x2db: {  	s7 =	simm.s32 $0xF00;
	[sflag:s22] =	ssyncadd.s32 $0xFFFFC000  }
0x2dc: {  	[spmem:s3] =	stream.indirect.scatter.add.f32 [tilespmem:s20], [sflag:$0x3], $0x80, s7, s19, $0xb8;
	[tilespmem:$0x1D000] =	vst v63  }
0x2dd: {  	_ =	swait.ge [sflag:s17], $0x4000  }
0x2de: {  	[sflag:s17] =	ssyncset.done $0x0  }
0x2df: {  	[sflag:s17] =	ssyncadd.s32 $0xFFFFC000  }
0x2e0: {  	_ =	swait.ge [sflag:s24], $0x4000  }
.Ltmp5:
0x2e1: {  	[sflag:s24] =	ssyncset.done $0x0;
	(pc) =	sbr.rel @!p1 .LBB2_3-.Ltmp5, $4  }
0x2e2: {  	s7 =	simm.s32 $0xF80;
	[sflag:s24] =	ssyncadd.s32 $0xFFFFC000  }
0x2e3: {  	[spmem:s3] =	stream.indirect.scatter.add.f32 [tilespmem:s21], [sflag:$0x3], $0x80, s7, s19, $0xb8;
	[tilespmem:$0x1D000] =	vst v63  }
0x2e4: {  	_ =	swait.ge [sflag:s17], $0x4000  }
0x2e5: {  	s7 =	smov.u32 s14;
	[sflag:s17] =	ssyncset.done $0x0  }
0x2e6: {  	s7 =	sadd.s32 s6, s13;
	[sflag:s17] =	ssyncadd.s32 $0xFFFFC000  }
0x2e7: {  	[tilespmem:s4], [sflag:$0x3] =	stream.linear.gather [hbm4b:s7+s4], $0x800, $0x38;
	[tilespmem:$0x1D000] =	vst v63  }
0x2e8: {  	_ =	swait.ge [sflag:s17], $0x800  }
0x2e9: {  	[sflag:s17] =	ssyncset.done $0x0  }
0x2ea: {  	s14 =	sadd.s32 s6, s12;
	[sflag:s17] =	ssyncadd.s32 $0xFFFFF800  }
0x2eb: {  	[tilespmem:s18], [sflag:$0x3] =	stream.linear.gather [hbm4b:s14+s4], $0x800, $0x38;
	[tilespmem:$0x1D000] =	vst v63  }
0x2ec: {  	_ =	swait.ge [sflag:s17], $0x800  }
0x2ed: {  	[sflag:s17] =	ssyncset.done $0x0  }
0x2ee: {  	[sflag:s17] =	ssyncadd.s32 $0xFFFFF800  }
0x2ef: {  	[tilespmem:s20], [sflag:$0x1] =	stream.indirect.gather [hbm4b:s1+s19], $0x80, s4, s19, $0xb8;
	[tilespmem:$0x1D000] =	vst v63  }
0x2f0: {  	_ = 	snop  }
0x2f1: {  	[tilespmem:s21], [sflag:$0x2] =	stream.indirect.gather [hbm4b:s1+s19], $0x80, s19, s19, $0xb8;
	[tilespmem:$0x1D000] =	vst v63  }
0x2f2: {  	_ =	swait.ge [sflag:s22], $0x4000  }
0x2f3: {  	[sflag:s22] =	ssyncset.done $0x0  }
0x2f4: {  	[sflag:s22] =	ssyncadd.s32 $0xFFFFC000  }
0x2f5: {  	[spmem:s3] =	stream.indirect.scatter.add.f32 [tilespmem:s20], [sflag:$0x3], $0x80, s18, s19, $0xb8;
	[tilespmem:$0x1D000] =	vst v63  }
0x2f6: {  	_ =	swait.ge [sflag:s17], $0x4000  }
0x2f7: {  	[sflag:s17] =	ssyncset.done $0x0  }
0x2f8: {  	[sflag:s17] =	ssyncadd.s32 $0xFFFFC000  }
0x2f9: {  	[tilespmem:s20], [sflag:$0x1] =	stream.indirect.gather [hbm4b:s1+s19], $0x80, s15, s19, $0xb8;
	[tilespmem:$0x1D000] =	vst v63  }
0x2fa: {  	_ =	swait.ge [sflag:s24], $0x4000  }
0x2fb: {  	[sflag:s24] =	ssyncset.done $0x0  }
0x2fc: {  	[sflag:s24] =	ssyncadd.s32 $0xFFFFC000  }
0x2fd: {  	[spmem:s3] =	stream.indirect.scatter.add.f32 [tilespmem:s21], [sflag:$0x3], $0x80, s8, s19, $0xb8;
	[tilespmem:$0x1D000] =	vst v63  }
0x2fe: {  	_ =	swait.ge [sflag:s17], $0x4000  }
0x2ff: {  	[sflag:s17] =	ssyncset.done $0x0  }
0x300: {  	[sflag:s17] =	ssyncadd.s32 $0xFFFFC000  }
0x301: {  	[tilespmem:s21], [sflag:$0x2] =	stream.indirect.gather [hbm4b:s1+s19], $0x80, s16, s19, $0xb8;
	[tilespmem:$0x1D000] =	vst v63  }
0x302: {  	_ =	swait.ge [sflag:s22], $0x4000  }
0x303: {  	[sflag:s22] =	ssyncset.done $0x0  }
0x304: {  	[sflag:s22] =	ssyncadd.s32 $0xFFFFC000  }
0x305: {  	[spmem:s3] =	stream.indirect.scatter.add.f32 [tilespmem:s20], [sflag:$0x3], $0x80, s23, s19, $0xb8;
	[tilespmem:$0x1D000] =	vst v63  }
0x306: {  	_ =	swait.ge [sflag:s17], $0x4000  }
0x307: {  	[sflag:s17] =	ssyncset.done $0x0  }
0x308: {  	[sflag:s17] =	ssyncadd.s32 $0xFFFFC000  }
0x309: {  	[tilespmem:s20], [sflag:$0x1] =	stream.indirect.gather [hbm4b:s1+s19], $0x80, s25, s19, $0xb8;
	[tilespmem:$0x1D000] =	vst v63  }
0x30a: {  	_ =	swait.ge [sflag:s24], $0x4000  }
0x30b: {  	[sflag:s24] =	ssyncset.done $0x0  }
0x30c: {  	[sflag:s24] =	ssyncadd.s32 $0xFFFFC000  }
0x30d: {  	[spmem:s3] =	stream.indirect.scatter.add.f32 [tilespmem:s21], [sflag:$0x3], $0x80, s26, s19, $0xb8;
	[tilespmem:$0x1D000] =	vst v63  }
0x30e: {  	_ =	swait.ge [sflag:s17], $0x4000  }
0x30f: {  	[sflag:s17] =	ssyncset.done $0x0  }
0x310: {  	[sflag:s17] =	ssyncadd.s32 $0xFFFFC000  }
0x311: {  	[tilespmem:s21], [sflag:$0x2] =	stream.indirect.gather [hbm4b:s1+s19], $0x80, s28, s19, $0xb8;
	[tilespmem:$0x1D000] =	vst v63  }
0x312: {  	_ =	swait.ge [sflag:s22], $0x4000  }
0x313: {  	[sflag:s22] =	ssyncset.done $0x0  }
0x314: {  	[sflag:s22] =	ssyncadd.s32 $0xFFFFC000  }
0x315: {  	[spmem:s3] =	stream.indirect.scatter.add.f32 [tilespmem:s20], [sflag:$0x3], $0x80, s29, s19, $0xb8;
	[tilespmem:$0x1D000] =	vst v63  }
0x316: {  	_ =	swait.ge [sflag:s17], $0x4000  }
0x317: {  	[sflag:s17] =	ssyncset.done $0x0  }
0x318: {  	[sflag:s17] =	ssyncadd.s32 $0xFFFFC000  }
0x319: {  	[tilespmem:s20], [sflag:$0x1] =	stream.indirect.gather [hbm4b:s1+s19], $0x80, s30, s19, $0xb8;
	[tilespmem:$0x1D000] =	vst v63  }
0x31a: {  	_ =	swait.ge [sflag:s24], $0x4000  }
0x31b: {  	[sflag:s24] =	ssyncset.done $0x0  }
0x31c: {  	[sflag:s24] =	ssyncadd.s32 $0xFFFFC000  }
0x31d: {  	[spmem:s3] =	stream.indirect.scatter.add.f32 [tilespmem:s21], [sflag:$0x3], $0x80, s31, s19, $0xb8;
	[tilespmem:$0x1D000] =	vst v63  }
0x31e: {  	_ =	swait.ge [sflag:s17], $0x4000  }
0x31f: {  	[sflag:s17] =	ssyncset.done $0x0  }
0x320: {  	[sflag:s17] =	ssyncadd.s32 $0xFFFFC000  }
0x321: {  	[tilespmem:s21], [sflag:$0x2] =	stream.indirect.gather [hbm4b:s1+s19], $0x80, s0, s19, $0xb8;
	[tilespmem:$0x1D000] =	vst v63  }
0x322: {  	_ =	swait.ge [sflag:s22], $0x4000  }
0x323: {  	[sflag:s22] =	ssyncset.done $0x0  }
0x324: {  	[sflag:s22] =	ssyncadd.s32 $0xFFFFC000  }
0x325: {  	[spmem:s3] =	stream.indirect.scatter.add.f32 [tilespmem:s20], [sflag:$0x3], $0x80, s2, s19, $0xb8;
	[tilespmem:$0x1D000] =	vst v63  }
0x326: {  	_ =	swait.ge [sflag:s17], $0x4000  }
0x327: {  	[sflag:s17] =	ssyncset.done $0x0  }
0x328: {  	[sflag:s17] =	ssyncadd.s32 $0xFFFFC000  }
0x329: {  	[tilespmem:s20], [sflag:$0x1] =	stream.indirect.gather [hbm4b:s1+s19], $0x80, s9, s19, $0xb8;
	[tilespmem:$0x1D000] =	vst v63  }
0x32a: {  	_ =	swait.ge [sflag:s24], $0x4000  }
0x32b: {  	[sflag:s24] =	ssyncset.done $0x0  }
0x32c: {  	[sflag:s24] =	ssyncadd.s32 $0xFFFFC000  }
0x32d: {  	[spmem:s3] =	stream.indirect.scatter.add.f32 [tilespmem:s21], [sflag:$0x3], $0x80, s10, s19, $0xb8;
	[tilespmem:$0x1D000] =	vst v63  }
0x32e: {  	_ =	swait.ge [sflag:s17], $0x4000  }
0x32f: {  	[sflag:s17] =	ssyncset.done $0x0  }
0x330: {  	s25 =	simm.s32 $0x480;
	[sflag:s17] =	ssyncadd.s32 $0xFFFFC000  }
0x331: {  	[tilespmem:s21], [sflag:$0x2] =	stream.indirect.gather [hbm4b:s1+s19], $0x80, s25, s19, $0xb8;
	[tilespmem:$0x1D000] =	vst v63  }
0x332: {  	_ =	swait.ge [sflag:s22], $0x4000  }
0x333: {  	[sflag:s22] =	ssyncset.done $0x0  }
0x334: {  	[sflag:s22] =	ssyncadd.s32 $0xFFFFC000  }
0x335: {  	[spmem:s3] =	stream.indirect.scatter.add.f32 [tilespmem:s20], [sflag:$0x3], $0x80, s11, s19, $0xb8;
	[tilespmem:$0x1D000] =	vst v63  }
0x336: {  	_ =	swait.ge [sflag:s17], $0x4000  }
0x337: {  	[sflag:s17] =	ssyncset.done $0x0  }
0x338: {  	s26 =	simm.s32 $0x500;
	[sflag:s17] =	ssyncadd.s32 $0xFFFFC000  }
0x339: {  	[tilespmem:s20], [sflag:$0x1] =	stream.indirect.gather [hbm4b:s1+s19], $0x80, s26, s19, $0xb8;
	[tilespmem:$0x1D000] =	vst v63  }
0x33a: {  	_ =	swait.ge [sflag:s24], $0x4000  }
0x33b: {  	[sflag:s24] =	ssyncset.done $0x0  }
0x33c: {  	s2 =	simm.s32 $0xC80;
	[sflag:s24] =	ssyncadd.s32 $0xFFFFC000  }
0x33d: {  	[spmem:s3] =	stream.indirect.scatter.add.f32 [tilespmem:s21], [sflag:$0x3], $0x80, s2, s19, $0xb8;
	[tilespmem:$0x1D000] =	vst v63  }
0x33e: {  	_ =	swait.ge [sflag:s17], $0x4000  }
0x33f: {  	[sflag:s17] =	ssyncset.done $0x0  }
0x340: {  	s6 =	simm.s32 $0x580;
	[sflag:s17] =	ssyncadd.s32 $0xFFFFC000  }
0x341: {  	[tilespmem:s21], [sflag:$0x2] =	stream.indirect.gather [hbm4b:s1+s19], $0x80, s6, s19, $0xb8;
	[tilespmem:$0x1D000] =	vst v63  }
0x342: {  	_ =	swait.ge [sflag:s22], $0x4000  }
0x343: {  	[sflag:s22] =	ssyncset.done $0x0  }
0x344: {  	s7 =	simm.s32 $0xD00;
	[sflag:s22] =	ssyncadd.s32 $0xFFFFC000  }
0x345: {  	[spmem:s3] =	stream.indirect.scatter.add.f32 [tilespmem:s20], [sflag:$0x3], $0x80, s7, s19, $0xb8;
	[tilespmem:$0x1D000] =	vst v63  }
0x346: {  	_ =	swait.ge [sflag:s17], $0x4000  }
0x347: {  	[sflag:s17] =	ssyncset.done $0x0  }
0x348: {  	s8 =	simm.s32 $0x600;
	[sflag:s17] =	ssyncadd.s32 $0xFFFFC000  }
0x349: {  	[tilespmem:s20], [sflag:$0x1] =	stream.indirect.gather [hbm4b:s1+s19], $0x80, s8, s19, $0xb8;
	[tilespmem:$0x1D000] =	vst v63  }
0x34a: {  	_ =	swait.ge [sflag:s24], $0x4000  }
0x34b: {  	[sflag:s24] =	ssyncset.done $0x0  }
0x34c: {  	s9 =	simm.s32 $0xD80;
	[sflag:s24] =	ssyncadd.s32 $0xFFFFC000  }
0x34d: {  	[spmem:s3] =	stream.indirect.scatter.add.f32 [tilespmem:s21], [sflag:$0x3], $0x80, s9, s19, $0xb8;
	[tilespmem:$0x1D000] =	vst v63  }
0x34e: {  	_ =	swait.ge [sflag:s17], $0x4000  }
0x34f: {  	[sflag:s17] =	ssyncset.done $0x0  }
0x350: {  	s10 =	simm.s32 $0x680;
	[sflag:s17] =	ssyncadd.s32 $0xFFFFC000  }
0x351: {  	[tilespmem:s21], [sflag:$0x2] =	stream.indirect.gather [hbm4b:s1+s19], $0x80, s10, s19, $0xb8;
	[tilespmem:$0x1D000] =	vst v63  }
0x352: {  	_ =	swait.ge [sflag:s22], $0x4000  }
0x353: {  	[sflag:s22] =	ssyncset.done $0x0  }
0x354: {  	s11 =	simm.s32 $0xE00;
	[sflag:s22] =	ssyncadd.s32 $0xFFFFC000  }
0x355: {  	[spmem:s3] =	stream.indirect.scatter.add.f32 [tilespmem:s20], [sflag:$0x3], $0x80, s11, s19, $0xb8;
	[tilespmem:$0x1D000] =	vst v63  }
0x356: {  	_ =	swait.ge [sflag:s17], $0x4000  }
0x357: {  	[sflag:s17] =	ssyncset.done $0x0  }
0x358: {  	s14 =	simm.s32 $0x700;
	[sflag:s17] =	ssyncadd.s32 $0xFFFFC000  }
0x359: {  	[tilespmem:s20], [sflag:$0x1] =	stream.indirect.gather [hbm4b:s1+s19], $0x80, s14, s19, $0xb8;
	[tilespmem:$0x1D000] =	vst v63  }
0x35a: {  	_ =	swait.ge [sflag:s24], $0x4000  }
0x35b: {  	[sflag:s24] =	ssyncset.done $0x0  }
0x35c: {  	s16 =	simm.s32 $0xE80;
	[sflag:s24] =	ssyncadd.s32 $0xFFFFC000  }
0x35d: {  	[spmem:s3] =	stream.indirect.scatter.add.f32 [tilespmem:s21], [sflag:$0x3], $0x80, s16, s19, $0xb8;
	[tilespmem:$0x1D000] =	vst v63  }
0x35e: {  	_ =	swait.ge [sflag:s17], $0x4000  }
0x35f: {  	[sflag:s17] =	ssyncset.done $0x0  }
0x360: {  	s23 =	simm.s32 $0x780;
	[sflag:s17] =	ssyncadd.s32 $0xFFFFC000  }
0x361: {  	[tilespmem:s21], [sflag:$0x2] =	stream.indirect.gather [hbm4b:s1+s19], $0x80, s23, s19, $0xb8;
	[tilespmem:$0x1D000] =	vst v63  }
0x362: {  	_ =	swait.ge [sflag:s22], $0x4000  }
0x363: {  	[sflag:s22] =	ssyncset.done $0x0  }
0x364: {  	s25 =	simm.s32 $0xF00;
	[sflag:s22] =	ssyncadd.s32 $0xFFFFC000  }
0x365: {  	[spmem:s3] =	stream.indirect.scatter.add.f32 [tilespmem:s20], [sflag:$0x3], $0x80, s25, s19, $0xb8;
	[tilespmem:$0x1D000] =	vst v63  }
0x366: {  	_ =	swait.ge [sflag:s17], $0x4000  }
0x367: {  	[sflag:s17] =	ssyncset.done $0x0  }
0x368: {  	[sflag:s17] =	ssyncadd.s32 $0xFFFFC000  }
0x369: {  	s28 =	simm.s32 $0xA00;
	_ =	swait.ge [sflag:s24], $0x4000  }
0x36a: {  	s29 =	simm.s32 $0x300;
	s30 =	simm.s32 $0xA80;
	[sflag:s24] =	ssyncset.done $0x0  }
0x36b: {  	s0 =	simm.s32 $0x380;
	s26 =	simm.s32 $0xF80;
	[sflag:s24] =	ssyncadd.s32 $0xFFFFC000  }
0x36c: {  	[spmem:s3] =	stream.indirect.scatter.add.f32 [tilespmem:s21], [sflag:$0x3], $0x80, s26, s19, $0xb8;
	[tilespmem:$0x1D000] =	vst v63  }
.Ltmp6:
0x36d: {  	s2 =	simm.s32 $0xB00;
	s8 =	simm.s32 $0x880;
	(pc) =	sbr.rel .LBB2_8-.Ltmp6, $4  }
0x36e: {  	s9 =	simm.s32 $0x400;
	s14 =	simm.s32 $0x180;
	_ =	swait.ge [sflag:s17], $0x4000  }
0x36f: {  	s16 =	simm.s32 $0x900;
	s23 =	simm.s32 $0x200;
	s6 =	rddreg [dreg:$0x4]  }
0x370: {  	s25 =	simm.s32 $0x980;
	[sflag:s17] =	ssyncset.done $0x0;
	s31 =	rddreg [dreg:$0xd]  }
0x371: {  	s26 =	simm.s32 $0x280;
	s10 =	rddreg [dreg:$0xe];
	[sflag:s17] =	ssyncadd.s32 $0xFFFFC000  }
.LBB2_9:
0x372: {  	_ =	sfence.sel $0x180000  }
0x373: {  	[bflag:$0x0] =	sbarrier.arrive $0xFFFF  }
0x374: {  	_ =	strace $0x9000004A  }
0x375: {  	s0 =	stileid.u32;
	[bflag:$0x2] =	sbarrier.arrive $0xFFFF  }
0x376: {  	p0 =	sne.s32 s0, $0x0;
	s0 =	rddreg [dreg:$0x3]  }
0x377: {  	s0 =	sadd.s32 @!p0 $0x100000, s0  }
0x378: {  	[sflag:s0] =	ssyncadd.tile.s32 @!p0 $0x1;
	_ =	shalt  }
.Lfunc_end2:
_tile_overlayer_lowered:
.L_overlay_start_2:
0x379: {  	(tag) =	ssettag $0x2  }
0x37a: {  	s0 =	rddreg [dreg:$0x0];
	s2 =	stileid.u32  }
0x37b: {  	s1 =	rddreg [dreg:$0x1];
	p0 =	sne.s32 s2, $0x0  }
0x37c: {  	s3 =	rddreg [dreg:$0x2];
	[bflag:$0x3] =	sbarrier.arrive $0xFFFF;
	s2 =	simm.s32 @!p0 $0x1C03  }
0x37d: {  	[timem:s3], [sflag:s2] =	dma.local @!p0 [hbm:s0], s1  }
0x37e: {  	s0 =	simm.s32 @!p0 $0x3  }
0x37f: {  	_ =	swait.ge @!p0 [sflag:s0], s1  }
0x380: {  	s1 =	ssub.s32 @!p0 $0x0, s1;
	[sflag:s0] =	ssyncset.done @!p0 $0x0  }
0x381: {  	[sflag:s0] =	ssyncadd.s32 @!p0 s1  }
0x382: {  	[bflag:$0x3] =	sbarrier.arrive $0xFFFF  }
0x383: {  	_ =	shalt  }

</sc_bundles>
